<compile_context>
chip_gen: v7x
topology: tpu7x:2x2x1
jax: 0.10.2.dev20260603
libtpu: 0.0.44.dev20260713+nightly
codegen_flags: <defaults>
</compile_context>

<pallas_src>
import jax
import jax.numpy as jnp
from jax import lax
from jax.experimental import pallas as pl
from jax.experimental.pallas import tpu as pltpu
from jax.experimental.pallas import tpu_sc as plsc

EPS = 1e-10
_FBLK = 57
_FSC = 57
_FTC = 513 - _FSC
_TC_LANES = 512

_LN2 = 0.6931471805599453
_LOG_COEFFS = (
    5.23940336e-09, 9.99998911e-01, -4.99962245e-01, 3.32818425e-01,
    -2.46356606e-01, 1.84688485e-01, -1.25266614e-01, 6.65124793e-02,
    -2.30382799e-02, 3.75262421e-03,
)


def _fast_log(y):
    b = lax.bitcast_convert_type(y, jnp.int32)
    e = ((b >> 23) - 127).astype(jnp.float32)
    m = lax.bitcast_convert_type((b & 0x007FFFFF) | 0x3F800000, jnp.float32)
    z = m - 1.0
    p = jnp.float32(_LOG_COEFFS[-1])
    for c in _LOG_COEFFS[-2::-1]:
        p = p * z + jnp.float32(c)
    return e * jnp.float32(_LN2) + p



def _tc_body(pred_ref, tar_ref, mask_ref, out_ref, s_acc, m_f32):
    i = pl.program_id(0)
    B = mask_ref.shape[0]
    T = mask_ref.shape[1]

    @pl.when(i == 0)
    def _():
        s_acc[...] = jnp.zeros_like(s_acc)
        m_f32[...] = mask_ref[...].astype(jnp.float32)

    for tc in range(T // _TC_LANES):
        sl = pl.ds(tc * _TC_LANES, _TC_LANES)
        m = m_f32[:, sl]

        def f_body(f, acc):
            p = pred_ref[f, :, sl]
            y = tar_ref[f, :, sl]
            return acc + jnp.abs(p - jnp.log(y + EPS)) * m

        acc = lax.fori_loop(0, _FBLK, f_body,
                            jnp.zeros((B, _TC_LANES), jnp.float32))
        s_acc[:, sl] += acc

    @pl.when(i == pl.num_programs(0) - 1)
    def _():
        s = jnp.sum(s_acc[...]).reshape(1, 1)
        c = jnp.sum(m_f32[...]).reshape(1, 1)
        out_ref[...] = jnp.concatenate([s, c], axis=1)



def _sc_body(pred_hbm, tar_hbm, mask_hbm, out_hbm,
             pb0, pb1, yb0, yb1, mbuf, mf, ovec, sem0, sem1):
    w = lax.axis_index("s") * 2 + lax.axis_index("c")
    tb = w // 16
    tt = w % 16
    rs = pl.ds(tb * 8, 8)
    cs = pl.ds(tt * 128, 128)

    pltpu.sync_copy(mask_hbm.at[rs, cs], mbuf)
    for r in range(8):
        for c in range(8):
            csl = pl.ds(c * 16, 16)
            mf[r, csl] = mbuf[r, csl].astype(jnp.float32)

    def fire(k, pb, yb, sem):
        pltpu.make_async_copy(pred_hbm.at[_FTC + k, rs, cs], pb, sem).start()
        pltpu.make_async_copy(tar_hbm.at[_FTC + k, rs, cs], yb, sem).start()

    def wait(k, pb, yb, sem):
        pltpu.make_async_copy(pred_hbm.at[_FTC + k, rs, cs], pb, sem).wait()
        pltpu.make_async_copy(tar_hbm.at[_FTC + k, rs, cs], yb, sem).wait()

    def plane_sum(pb, yb, acc):
        def rbody(r, a):
            def cbody(c, a2):
                csl = pl.ds(c * 16, 16)
                vp = pb[r, csl]
                vy = yb[r, csl]
                vm = mf[r, csl]
                return a2 + jnp.abs(vp - _fast_log(vy + EPS)) * vm
            return lax.fori_loop(0, 8, cbody, a)
        return lax.fori_loop(0, 8, rbody, acc)

    def plane_sum_into(pb, yb, accr):
        local = plane_sum(pb, yb, jnp.zeros((16,), jnp.float32))
        accr[...] += local

    ovec[...] = jnp.zeros((16,), jnp.float32)
    fire(0, pb0, yb0, sem0)
    fire(1, pb1, yb1, sem1)

    def loop2(k, carry):
        p0 = 2 * k

        wait(p0, pb0, yb0, sem0)
        plane_sum_into(pb0, yb0, ovec)

        @pl.when(p0 + 2 < _FSC)
        def _():
            fire(p0 + 2, pb0, yb0, sem0)

        @pl.when(p0 + 1 < _FSC)
        def _():
            wait(p0 + 1, pb1, yb1, sem1)
            plane_sum_into(pb1, yb1, ovec)

            @pl.when(p0 + 3 < _FSC)
            def _():
                fire(p0 + 3, pb1, yb1, sem1)

        return carry

    lax.fori_loop(0, (_FSC + 1) // 2, loop2, 0)
    pltpu.sync_copy(ovec, out_hbm.at[w])



def kernel(log_predicted, linear_tar, stft_length_masks):
    B, T, F = log_predicted.shape
    pred_t = jnp.transpose(log_predicted, (2, 0, 1))
    tar_t = jnp.transpose(linear_tar, (2, 0, 1))

    tc_out = pl.pallas_call(
        _tc_body,
        grid=(_FTC // _FBLK,),
        in_specs=[
            pl.BlockSpec((_FBLK, B, T), lambda i: (i, 0, 0)),
            pl.BlockSpec((_FBLK, B, T), lambda i: (i, 0, 0)),
            pl.BlockSpec((B, T), lambda i: (0, 0)),
        ],
        out_specs=pl.BlockSpec((1, 2), lambda i: (0, 0)),
        out_shape=jax.ShapeDtypeStruct((1, 2), jnp.float32),
        scratch_shapes=[
            pltpu.VMEM((B, T), jnp.float32),
            pltpu.VMEM((B, T), jnp.float32),
        ],
    )(pred_t, tar_t, stft_length_masks)

    mesh = plsc.VectorSubcoreMesh(core_axis_name="c", subcore_axis_name="s")
    sc_out = pl.kernel(
        _sc_body,
        out_type=jax.ShapeDtypeStruct((32, 16), jnp.float32),
        mesh=mesh,
        compiler_params=pltpu.CompilerParams(use_tc_tiling_on_sc=True),
        scratch_types=[
            pltpu.VMEM((8, 128), jnp.float32),
            pltpu.VMEM((8, 128), jnp.float32),
            pltpu.VMEM((8, 128), jnp.float32),
            pltpu.VMEM((8, 128), jnp.float32),
            pltpu.VMEM((8, 128), jnp.int32),
            pltpu.VMEM((8, 128), jnp.float32),
            pltpu.VMEM((16,), jnp.float32),
            pltpu.SemaphoreType.DMA,
            pltpu.SemaphoreType.DMA,
        ],
    )(pred_t, tar_t, stft_length_masks)

    total = tc_out[0, 0] + jnp.sum(sc_out)
    return total / (tc_out[0, 1] * F)

# --- scband reference (transcript-rebuilt; emitter-appended) ---
"""Pipeline reference for scband-l1-7722351199006 (READ-ONLY COPY).

The authoritative reference and input builder live on the scoring server;
editing this copy changes nothing except your own understanding.
"""

import jax, jax.numpy as jnp
import numpy as np

EPS = 1e-10

def setup_inputs(seed: int = 0) -> dict:
    key = jax.random.key(seed)
    k1, k2, k3 = jax.random.split(key, 3)
    B, T, F = 16, 2048, 513
    log_predicted = jax.random.normal(k1, (B, T, F), dtype=jnp.float32)
    linear_tar = jax.random.uniform(k2, (B, T, F), dtype=jnp.float32)
    stft_length_masks = jax.random.randint(k3, (B, T), 0, 2).astype(jnp.int32)
    return {
        "log_predicted": log_predicted,
        "linear_tar": linear_tar,
        "stft_length_masks": stft_length_masks,
    }

def reference(log_predicted, linear_tar, stft_length_masks):
    # masked_select of [B,T,F] by mask [B,T,1] keeps all F bins of frames where mask==1.
    # L1Loss (mean reduction) over selected elements == sum(|src - log(tar+eps)|*mask) / (sum(mask)*F)
    mask = stft_length_masks[..., None].astype(jnp.float32)  # [B, T, 1]
    tar_log = jnp.log(linear_tar + EPS)
    abs_diff = jnp.abs(log_predicted - tar_log) * mask
    num_selected = jnp.sum(mask) * log_predicted.shape[-1]
    l1 = jnp.sum(abs_diff) / num_selected
    return l1

if __name__ == "__main__":
    import jax
    _d = setup_inputs()
    print(jax.jit(kernel)(*tuple(_d.values())))

</pallas_src>

<mosaic_0001>
#map = affine_map<(d0, d1) -> (0, 0, 0)>
#map1 = affine_map<(d0, d1) -> (0, 0)>
module attributes {stable_mosaic.version = 14 : i64} {
  func.func @_sc_body(%arg0: i32, %arg1: i32, %arg2: memref<513x16x2048xf32, #tpu.memory_space<hbm>>, %arg3: memref<513x16x2048xf32, #tpu.memory_space<hbm>>, %arg4: memref<16x2048xi32, #tpu.memory_space<hbm>>, %arg5: memref<32x16xf32, #tpu.memory_space<hbm>>, %arg6: memref<8x128xf32, #tpu.memory_space<vmem>>, %arg7: memref<8x128xf32, #tpu.memory_space<vmem>>, %arg8: memref<8x128xf32, #tpu.memory_space<vmem>>, %arg9: memref<8x128xf32, #tpu.memory_space<vmem>>, %arg10: memref<8x128xi32, #tpu.memory_space<vmem>>, %arg11: memref<8x128xf32, #tpu.memory_space<vmem>>, %arg12: memref<16xf32, #tpu.memory_space<vmem>>, %arg13: memref<!tpu.dma_semaphore, #tpu.memory_space<semaphore_mem>>, %arg14: memref<!tpu.dma_semaphore, #tpu.memory_space<semaphore_mem>>) attributes {dimension_semantics = [#tpu.dimension_semantics<core_parallel>, #tpu.dimension_semantics<subcore_parallel>], iteration_bounds = array<i64: 2, 16>, scalar_prefetch = 0 : i64, scratch_operands = 9 : i64, tpu.core_type = #tpu.core_type<sc_vector_subcore>, window_params = [{transform_indices = #map}, {transform_indices = #map}, {transform_indices = #map1}, {transform_indices = #map1}]} {
    %mul3A = arith.constant 2 : i32
    %mul3A_0 = arith.muli %arg1, %mul3A : i32
    %add3A = arith.addi %mul3A_0, %arg0 : i32
    %jit3A = arith.constant 16 : i32
    %div3A = arith.divsi %add3A, %jit3A : i32
    %sign3A = arith.constant 0 : i32
    %sign3A_1 = arith.cmpi sgt, %add3A, %sign3A : i32
    %sign3A_2 = arith.extui %sign3A_1 : i1 to i32
    %sign3A_3 = arith.constant 0 : i32
    %sign3A_4 = arith.cmpi slt, %add3A, %sign3A_3 : i32
    %sign3A_5 = arith.extui %sign3A_4 : i1 to i32
    %sign3A_6 = arith.subi %sign3A_2, %sign3A_5 : i32
    %sign3A_7 = arith.constant 0 : i32
    %sign3A_8 = arith.cmpi sgt, %jit3A, %sign3A_7 : i32
    %sign3A_9 = arith.extui %sign3A_8 : i1 to i32
    %sign3A_10 = arith.constant 0 : i32
    %sign3A_11 = arith.cmpi slt, %jit3A, %sign3A_10 : i32
    %sign3A_12 = arith.extui %sign3A_11 : i1 to i32
    %sign3A_13 = arith.subi %sign3A_9, %sign3A_12 : i32
    %ne3A = arith.cmpi ne, %sign3A_6, %sign3A_13 : i32
    %rem3A = arith.remsi %add3A, %jit3A : i32
    %ne3A_14 = arith.constant 0 : i32
    %ne3A_15 = arith.cmpi ne, %rem3A, %ne3A_14 : i32
    %and3A = arith.andi %ne3A, %ne3A_15 : i1
    %sub3A = arith.constant 1 : i32
    %sub3A_16 = arith.subi %div3A, %sub3A : i32
    %select_n3A = arith.select %and3A, %sub3A_16, %div3A : i32
    %jit3A_17 = arith.constant 16 : i32
    %eq3A = arith.constant 0 : i32
    %eq3A_18 = arith.cmpi eq, %jit3A_17, %eq3A : i32
    %jit3A_19 = arith.constant 1 : i32
    %select_n3A_20 = arith.select %eq3A_18, %jit3A_19, %jit3A_17 : i32
    %rem3A_21 = arith.remsi %add3A, %select_n3A_20 : i32
    %ne3A_22 = arith.constant 0 : i32
    %ne3A_23 = arith.cmpi ne, %rem3A_21, %ne3A_22 : i32
    %lt3A = arith.constant 0 : i32
    %lt3A_24 = arith.cmpi slt, %rem3A_21, %lt3A : i32
    %lt3A_25 = arith.constant 0 : i32
    %lt3A_26 = arith.cmpi slt, %select_n3A_20, %lt3A_25 : i32
    %ne3A_27 = arith.xori %lt3A_24, %lt3A_26 : i1
    %and3A_28 = arith.andi %ne3A_27, %ne3A_23 : i1
    %add3A_29 = arith.addi %rem3A_21, %select_n3A_20 : i32
    %select_n3A_30 = arith.select %and3A_28, %add3A_29, %rem3A_21 : i32
    %mul3A_31 = arith.constant 8 : i32
    %mul3A_32 = arith.muli %select_n3A, %mul3A_31 : i32
    %mul3A_33 = arith.constant 128 : i32
    %mul3A_34 = arith.muli %select_n3A_30, %mul3A_33 : i32
    "tpu.region"() ({
      %run_scoped3A = tpu.sem_alloc : memref<!tpu.dma_semaphore, #tpu.memory_space<semaphore_mem>>
      %dma_start3A_829 = tpu.memref_slice %arg4[%mul3A_32, %mul3A_34] : memref<16x2048xi32, #tpu.memory_space<hbm>> -> memref<8x128xi32, #tpu.memory_space<hbm>>
      %dma_start3A_830 = tpu.memref_slice %arg4[%mul3A_32, %mul3A_34] : memref<16x2048xi32, #tpu.memory_space<hbm>> -> memref<8x128xi32, #tpu.memory_space<hbm>>
      tpu.enqueue_dma source(%dma_start3A_830 : memref<8x128xi32, #tpu.memory_space<hbm>>) target(%arg10 : memref<8x128xi32, #tpu.memory_space<vmem>>) target_semaphore(%run_scoped3A : memref<!tpu.dma_semaphore, #tpu.memory_space<semaphore_mem>>)
      %dma_wait3A = tpu.memref_slice %arg4[%mul3A_32, %mul3A_34] : memref<16x2048xi32, #tpu.memory_space<hbm>> -> memref<8x128xi32, #tpu.memory_space<hbm>>
      %dma_wait3A_831 = tpu.memref_slice %arg4[%mul3A_32, %mul3A_34] : memref<16x2048xi32, #tpu.memory_space<hbm>> -> memref<8x128xi32, #tpu.memory_space<hbm>>
      tpu.wait_dma2 semaphore(%run_scoped3A : memref<!tpu.dma_semaphore, #tpu.memory_space<semaphore_mem>>) src(%dma_wait3A_831 : memref<8x128xi32, #tpu.memory_space<hbm>>) dst(%arg10 : memref<8x128xi32, #tpu.memory_space<vmem>>)
      tpu.yield
    }) : () -> ()
    %get3A = arith.constant 0 : i32
    %get3A_35 = arith.index_cast %get3A : i32 to index
    %get3A_36 = arith.constant 0 : index
    %get3A_37 = tpu.vector_load %arg10[%get3A_35, %get3A_36] {strides = array<i32>} : memref<8x128xi32, #tpu.memory_space<vmem>>, vector<1x16xi32>,
    %get3A_38 = vector.shape_cast %get3A_37 : vector<1x16xi32> to vector<16xi32>
    %convert_element_type3A = arith.sitofp %get3A_38 : vector<16xi32> to vector<16xf32>
    %swap3A = arith.constant 0 : i32
    %swap3A_39 = arith.index_cast %swap3A : i32 to index
    %swap3A_40 = arith.constant 0 : index
    %swap3A_41 = tpu.vector_load %arg11[%swap3A_39, %swap3A_40] {strides = array<i32>} : memref<8x128xf32, #tpu.memory_space<vmem>>, vector<1x16xf32>,
    %swap3A_42 = vector.shape_cast %swap3A_41 : vector<1x16xf32> to vector<16xf32>
    %swap3A_43 = vector.shape_cast %convert_element_type3A : vector<16xf32> to vector<1x16xf32>
    tpu.vector_store %arg11[%swap3A_39, %swap3A_40], %swap3A_43 {strides = array<i32>} : memref<8x128xf32, #tpu.memory_space<vmem>>, vector<1x16xf32>,
    %get3A_44 = arith.constant 0 : i32
    %get3A_45 = arith.index_cast %get3A_44 : i32 to index
    %get3A_46 = arith.constant 16 : index
    %get3A_47 = tpu.vector_load %arg10[%get3A_45, %get3A_46] {strides = array<i32>} : memref<8x128xi32, #tpu.memory_space<vmem>>, vector<1x16xi32>,
    %get3A_48 = vector.shape_cast %get3A_47 : vector<1x16xi32> to vector<16xi32>
    %convert_element_type3A_49 = arith.sitofp %get3A_48 : vector<16xi32> to vector<16xf32>
    %swap3A_50 = arith.constant 0 : i32
    %swap3A_51 = arith.index_cast %swap3A_50 : i32 to index
    %swap3A_52 = arith.constant 16 : index
    %swap3A_53 = tpu.vector_load %arg11[%swap3A_51, %swap3A_52] {strides = array<i32>} : memref<8x128xf32, #tpu.memory_space<vmem>>, vector<1x16xf32>,
    %swap3A_54 = vector.shape_cast %swap3A_53 : vector<1x16xf32> to vector<16xf32>
    %swap3A_55 = vector.shape_cast %convert_element_type3A_49 : vector<16xf32> to vector<1x16xf32>
    tpu.vector_store %arg11[%swap3A_51, %swap3A_52], %swap3A_55 {strides = array<i32>} : memref<8x128xf32, #tpu.memory_space<vmem>>, vector<1x16xf32>,
    %get3A_56 = arith.constant 0 : i32
    %get3A_57 = arith.index_cast %get3A_56 : i32 to index
    %get3A_58 = arith.constant 32 : index
    %get3A_59 = tpu.vector_load %arg10[%get3A_57, %get3A_58] {strides = array<i32>} : memref<8x128xi32, #tpu.memory_space<vmem>>, vector<1x16xi32>,
    %get3A_60 = vector.shape_cast %get3A_59 : vector<1x16xi32> to vector<16xi32>
    %convert_element_type3A_61 = arith.sitofp %get3A_60 : vector<16xi32> to vector<16xf32>
    %swap3A_62 = arith.constant 0 : i32
    %swap3A_63 = arith.index_cast %swap3A_62 : i32 to index
    %swap3A_64 = arith.constant 32 : index
    %swap3A_65 = tpu.vector_load %arg11[%swap3A_63, %swap3A_64] {strides = array<i32>} : memref<8x128xf32, #tpu.memory_space<vmem>>, vector<1x16xf32>,
    %swap3A_66 = vector.shape_cast %swap3A_65 : vector<1x16xf32> to vector<16xf32>
    %swap3A_67 = vector.shape_cast %convert_element_type3A_61 : vector<16xf32> to vector<1x16xf32>
    tpu.vector_store %arg11[%swap3A_63, %swap3A_64], %swap3A_67 {strides = array<i32>} : memref<8x128xf32, #tpu.memory_space<vmem>>, vector<1x16xf32>,
    %get3A_68 = arith.constant 0 : i32
    %get3A_69 = arith.index_cast %get3A_68 : i32 to index
    %get3A_70 = arith.constant 48 : index
    %get3A_71 = tpu.vector_load %arg10[%get3A_69, %get3A_70] {strides = array<i32>} : memref<8x128xi32, #tpu.memory_space<vmem>>, vector<1x16xi32>,
    %get3A_72 = vector.shape_cast %get3A_71 : vector<1x16xi32> to vector<16xi32>
    %convert_element_type3A_73 = arith.sitofp %get3A_72 : vector<16xi32> to vector<16xf32>
    %swap3A_74 = arith.constant 0 : i32
    %swap3A_75 = arith.index_cast %swap3A_74 : i32 to index
    %swap3A_76 = arith.constant 48 : index
    %swap3A_77 = tpu.vector_load %arg11[%swap3A_75, %swap3A_76] {strides = array<i32>} : memref<8x128xf32, #tpu.memory_space<vmem>>, vector<1x16xf32>,
    %swap3A_78 = vector.shape_cast %swap3A_77 : vector<1x16xf32> to vector<16xf32>
    %swap3A_79 = vector.shape_cast %convert_element_type3A_73 : vector<16xf32> to vector<1x16xf32>
    tpu.vector_store %arg11[%swap3A_75, %swap3A_76], %swap3A_79 {strides = array<i32>} : memref<8x128xf32, #tpu.memory_space<vmem>>, vector<1x16xf32>,
    %get3A_80 = arith.constant 0 : i32
    %get3A_81 = arith.index_cast %get3A_80 : i32 to index
    %get3A_82 = arith.constant 64 : index
    %get3A_83 = tpu.vector_load %arg10[%get3A_81, %get3A_82] {strides = array<i32>} : memref<8x128xi32, #tpu.memory_space<vmem>>, vector<1x16xi32>,
    %get3A_84 = vector.shape_cast %get3A_83 : vector<1x16xi32> to vector<16xi32>
    %convert_element_type3A_85 = arith.sitofp %get3A_84 : vector<16xi32> to vector<16xf32>
    %swap3A_86 = arith.constant 0 : i32
    %swap3A_87 = arith.index_cast %swap3A_86 : i32 to index
    %swap3A_88 = arith.constant 64 : index
    %swap3A_89 = tpu.vector_load %arg11[%swap3A_87, %swap3A_88] {strides = array<i32>} : memref<8x128xf32, #tpu.memory_space<vmem>>, vector<1x16xf32>,
    %swap3A_90 = vector.shape_cast %swap3A_89 : vector<1x16xf32> to vector<16xf32>
    %swap3A_91 = vector.shape_cast %convert_element_type3A_85 : vector<16xf32> to vector<1x16xf32>
    tpu.vector_store %arg11[%swap3A_87, %swap3A_88], %swap3A_91 {strides = array<i32>} : memref<8x128xf32, #tpu.memory_space<vmem>>, vector<1x16xf32>,
    %get3A_92 = arith.constant 0 : i32
    %get3A_93 = arith.index_cast %get3A_92 : i32 to index
    %get3A_94 = arith.constant 80 : index
    %get3A_95 = tpu.vector_load %arg10[%get3A_93, %get3A_94] {strides = array<i32>} : memref<8x128xi32, #tpu.memory_space<vmem>>, vector<1x16xi32>,
    %get3A_96 = vector.shape_cast %get3A_95 : vector<1x16xi32> to vector<16xi32>
    %convert_element_type3A_97 = arith.sitofp %get3A_96 : vector<16xi32> to vector<16xf32>
    %swap3A_98 = arith.constant 0 : i32
    %swap3A_99 = arith.index_cast %swap3A_98 : i32 to index
    %swap3A_100 = arith.constant 80 : index
    %swap3A_101 = tpu.vector_load %arg11[%swap3A_99, %swap3A_100] {strides = array<i32>} : memref<8x128xf32, #tpu.memory_space<vmem>>, vector<1x16xf32>,
    %swap3A_102 = vector.shape_cast %swap3A_101 : vector<1x16xf32> to vector<16xf32>
    %swap3A_103 = vector.shape_cast %convert_element_type3A_97 : vector<16xf32> to vector<1x16xf32>
    tpu.vector_store %arg11[%swap3A_99, %swap3A_100], %swap3A_103 {strides = array<i32>} : memref<8x128xf32, #tpu.memory_space<vmem>>, vector<1x16xf32>,
    %get3A_104 = arith.constant 0 : i32
    %get3A_105 = arith.index_cast %get3A_104 : i32 to index
    %get3A_106 = arith.constant 96 : index
    %get3A_107 = tpu.vector_load %arg10[%get3A_105, %get3A_106] {strides = array<i32>} : memref<8x128xi32, #tpu.memory_space<vmem>>, vector<1x16xi32>,
    %get3A_108 = vector.shape_cast %get3A_107 : vector<1x16xi32> to vector<16xi32>
    %convert_element_type3A_109 = arith.sitofp %get3A_108 : vector<16xi32> to vector<16xf32>
    %swap3A_110 = arith.constant 0 : i32
    %swap3A_111 = arith.index_cast %swap3A_110 : i32 to index
    %swap3A_112 = arith.constant 96 : index
    %swap3A_113 = tpu.vector_load %arg11[%swap3A_111, %swap3A_112] {strides = array<i32>} : memref<8x128xf32, #tpu.memory_space<vmem>>, vector<1x16xf32>,
    %swap3A_114 = vector.shape_cast %swap3A_113 : vector<1x16xf32> to vector<16xf32>
    %swap3A_115 = vector.shape_cast %convert_element_type3A_109 : vector<16xf32> to vector<1x16xf32>
    tpu.vector_store %arg11[%swap3A_111, %swap3A_112], %swap3A_115 {strides = array<i32>} : memref<8x128xf32, #tpu.memory_space<vmem>>, vector<1x16xf32>,
    %get3A_116 = arith.constant 0 : i32
    %get3A_117 = arith.index_cast %get3A_116 : i32 to index
    %get3A_118 = arith.constant 112 : index
    %get3A_119 = tpu.vector_load %arg10[%get3A_117, %get3A_118] {strides = array<i32>} : memref<8x128xi32, #tpu.memory_space<vmem>>, vector<1x16xi32>,
    %get3A_120 = vector.shape_cast %get3A_119 : vector<1x16xi32> to vector<16xi32>
    %convert_element_type3A_121 = arith.sitofp %get3A_120 : vector<16xi32> to vector<16xf32>
    %swap3A_122 = arith.constant 0 : i32
    %swap3A_123 = arith.index_cast %swap3A_122 : i32 to index
    %swap3A_124 = arith.constant 112 : index
    %swap3A_125 = tpu.vector_load %arg11[%swap3A_123, %swap3A_124] {strides = array<i32>} : memref<8x128xf32, #tpu.memory_space<vmem>>, vector<1x16xf32>,
    %swap3A_126 = vector.shape_cast %swap3A_125 : vector<1x16xf32> to vector<16xf32>
    %swap3A_127 = vector.shape_cast %convert_element_type3A_121 : vector<16xf32> to vector<1x16xf32>
    tpu.vector_store %arg11[%swap3A_123, %swap3A_124], %swap3A_127 {strides = array<i32>} : memref<8x128xf32, #tpu.memory_space<vmem>>, vector<1x16xf32>,
    %get3A_128 = arith.constant 1 : i32
    %get3A_129 = arith.index_cast %get3A_128 : i32 to index
    %get3A_130 = arith.constant 0 : index
    %get3A_131 = tpu.vector_load %arg10[%get3A_129, %get3A_130] {strides = array<i32>} : memref<8x128xi32, #tpu.memory_space<vmem>>, vector<1x16xi32>,
    %get3A_132 = vector.shape_cast %get3A_131 : vector<1x16xi32> to vector<16xi32>
    %convert_element_type3A_133 = arith.sitofp %get3A_132 : vector<16xi32> to vector<16xf32>
    %swap3A_134 = arith.constant 1 : i32
    %swap3A_135 = arith.index_cast %swap3A_134 : i32 to index
    %swap3A_136 = arith.constant 0 : index
    %swap3A_137 = tpu.vector_load %arg11[%swap3A_135, %swap3A_136] {strides = array<i32>} : memref<8x128xf32, #tpu.memory_space<vmem>>, vector<1x16xf32>,
    %swap3A_138 = vector.shape_cast %swap3A_137 : vector<1x16xf32> to vector<16xf32>
    %swap3A_139 = vector.shape_cast %convert_element_type3A_133 : vector<16xf32> to vector<1x16xf32>
    tpu.vector_store %arg11[%swap3A_135, %swap3A_136], %swap3A_139 {strides = array<i32>} : memref<8x128xf32, #tpu.memory_space<vmem>>, vector<1x16xf32>,
    %get3A_140 = arith.constant 1 : i32
    %get3A_141 = arith.index_cast %get3A_140 : i32 to index
    %get3A_142 = arith.constant 16 : index
    %get3A_143 = tpu.vector_load %arg10[%get3A_141, %get3A_142] {strides = array<i32>} : memref<8x128xi32, #tpu.memory_space<vmem>>, vector<1x16xi32>,
    %get3A_144 = vector.shape_cast %get3A_143 : vector<1x16xi32> to vector<16xi32>
    %convert_element_type3A_145 = arith.sitofp %get3A_144 : vector<16xi32> to vector<16xf32>
    %swap3A_146 = arith.constant 1 : i32
    %swap3A_147 = arith.index_cast %swap3A_146 : i32 to index
    %swap3A_148 = arith.constant 16 : index
    %swap3A_149 = tpu.vector_load %arg11[%swap3A_147, %swap3A_148] {strides = array<i32>} : memref<8x128xf32, #tpu.memory_space<vmem>>, vector<1x16xf32>,
    %swap3A_150 = vector.shape_cast %swap3A_149 : vector<1x16xf32> to vector<16xf32>
    %swap3A_151 = vector.shape_cast %convert_element_type3A_145 : vector<16xf32> to vector<1x16xf32>
    tpu.vector_store %arg11[%swap3A_147, %swap3A_148], %swap3A_151 {strides = array<i32>} : memref<8x128xf32, #tpu.memory_space<vmem>>, vector<1x16xf32>,
    %get3A_152 = arith.constant 1 : i32
    %get3A_153 = arith.index_cast %get3A_152 : i32 to index
    %get3A_154 = arith.constant 32 : index
    %get3A_155 = tpu.vector_load %arg10[%get3A_153, %get3A_154] {strides = array<i32>} : memref<8x128xi32, #tpu.memory_space<vmem>>, vector<1x16xi32>,
    %get3A_156 = vector.shape_cast %get3A_155 : vector<1x16xi32> to vector<16xi32>
    %convert_element_type3A_157 = arith.sitofp %get3A_156 : vector<16xi32> to vector<16xf32>
    %swap3A_158 = arith.constant 1 : i32
    %swap3A_159 = arith.index_cast %swap3A_158 : i32 to index
    %swap3A_160 = arith.constant 32 : index
    %swap3A_161 = tpu.vector_load %arg11[%swap3A_159, %swap3A_160] {strides = array<i32>} : memref<8x128xf32, #tpu.memory_space<vmem>>, vector<1x16xf32>,
    %swap3A_162 = vector.shape_cast %swap3A_161 : vector<1x16xf32> to vector<16xf32>
    %swap3A_163 = vector.shape_cast %convert_element_type3A_157 : vector<16xf32> to vector<1x16xf32>
    tpu.vector_store %arg11[%swap3A_159, %swap3A_160], %swap3A_163 {strides = array<i32>} : memref<8x128xf32, #tpu.memory_space<vmem>>, vector<1x16xf32>,
    %get3A_164 = arith.constant 1 : i32
    %get3A_165 = arith.index_cast %get3A_164 : i32 to index
    %get3A_166 = arith.constant 48 : index
    %get3A_167 = tpu.vector_load %arg10[%get3A_165, %get3A_166] {strides = array<i32>} : memref<8x128xi32, #tpu.memory_space<vmem>>, vector<1x16xi32>,
    %get3A_168 = vector.shape_cast %get3A_167 : vector<1x16xi32> to vector<16xi32>
    %convert_element_type3A_169 = arith.sitofp %get3A_168 : vector<16xi32> to vector<16xf32>
    %swap3A_170 = arith.constant 1 : i32
    %swap3A_171 = arith.index_cast %swap3A_170 : i32 to index
    %swap3A_172 = arith.constant 48 : index
    %swap3A_173 = tpu.vector_load %arg11[%swap3A_171, %swap3A_172] {strides = array<i32>} : memref<8x128xf32, #tpu.memory_space<vmem>>, vector<1x16xf32>,
    %swap3A_174 = vector.shape_cast %swap3A_173 : vector<1x16xf32> to vector<16xf32>
    %swap3A_175 = vector.shape_cast %convert_element_type3A_169 : vector<16xf32> to vector<1x16xf32>
    tpu.vector_store %arg11[%swap3A_171, %swap3A_172], %swap3A_175 {strides = array<i32>} : memref<8x128xf32, #tpu.memory_space<vmem>>, vector<1x16xf32>,
    %get3A_176 = arith.constant 1 : i32
    %get3A_177 = arith.index_cast %get3A_176 : i32 to index
    %get3A_178 = arith.constant 64 : index
    %get3A_179 = tpu.vector_load %arg10[%get3A_177, %get3A_178] {strides = array<i32>} : memref<8x128xi32, #tpu.memory_space<vmem>>, vector<1x16xi32>,
    %get3A_180 = vector.shape_cast %get3A_179 : vector<1x16xi32> to vector<16xi32>
    %convert_element_type3A_181 = arith.sitofp %get3A_180 : vector<16xi32> to vector<16xf32>
    %swap3A_182 = arith.constant 1 : i32
    %swap3A_183 = arith.index_cast %swap3A_182 : i32 to index
    %swap3A_184 = arith.constant 64 : index
    %swap3A_185 = tpu.vector_load %arg11[%swap3A_183, %swap3A_184] {strides = array<i32>} : memref<8x128xf32, #tpu.memory_space<vmem>>, vector<1x16xf32>,
    %swap3A_186 = vector.shape_cast %swap3A_185 : vector<1x16xf32> to vector<16xf32>
    %swap3A_187 = vector.shape_cast %convert_element_type3A_181 : vector<16xf32> to vector<1x16xf32>
    tpu.vector_store %arg11[%swap3A_183, %swap3A_184], %swap3A_187 {strides = array<i32>} : memref<8x128xf32, #tpu.memory_space<vmem>>, vector<1x16xf32>,
    %get3A_188 = arith.constant 1 : i32
    %get3A_189 = arith.index_cast %get3A_188 : i32 to index
    %get3A_190 = arith.constant 80 : index
    %get3A_191 = tpu.vector_load %arg10[%get3A_189, %get3A_190] {strides = array<i32>} : memref<8x128xi32, #tpu.memory_space<vmem>>, vector<1x16xi32>,
    %get3A_192 = vector.shape_cast %get3A_191 : vector<1x16xi32> to vector<16xi32>
    %convert_element_type3A_193 = arith.sitofp %get3A_192 : vector<16xi32> to vector<16xf32>
    %swap3A_194 = arith.constant 1 : i32
    %swap3A_195 = arith.index_cast %swap3A_194 : i32 to index
    %swap3A_196 = arith.constant 80 : index
    %swap3A_197 = tpu.vector_load %arg11[%swap3A_195, %swap3A_196] {strides = array<i32>} : memref<8x128xf32, #tpu.memory_space<vmem>>, vector<1x16xf32>,
    %swap3A_198 = vector.shape_cast %swap3A_197 : vector<1x16xf32> to vector<16xf32>
    %swap3A_199 = vector.shape_cast %convert_element_type3A_193 : vector<16xf32> to vector<1x16xf32>
    tpu.vector_store %arg11[%swap3A_195, %swap3A_196], %swap3A_199 {strides = array<i32>} : memref<8x128xf32, #tpu.memory_space<vmem>>, vector<1x16xf32>,
    %get3A_200 = arith.constant 1 : i32
    %get3A_201 = arith.index_cast %get3A_200 : i32 to index
    %get3A_202 = arith.constant 96 : index
    %get3A_203 = tpu.vector_load %arg10[%get3A_201, %get3A_202] {strides = array<i32>} : memref<8x128xi32, #tpu.memory_space<vmem>>, vector<1x16xi32>,
    %get3A_204 = vector.shape_cast %get3A_203 : vector<1x16xi32> to vector<16xi32>
    %convert_element_type3A_205 = arith.sitofp %get3A_204 : vector<16xi32> to vector<16xf32>
    %swap3A_206 = arith.constant 1 : i32
    %swap3A_207 = arith.index_cast %swap3A_206 : i32 to index
    %swap3A_208 = arith.constant 96 : index
    %swap3A_209 = tpu.vector_load %arg11[%swap3A_207, %swap3A_208] {strides = array<i32>} : memref<8x128xf32, #tpu.memory_space<vmem>>, vector<1x16xf32>,
    %swap3A_210 = vector.shape_cast %swap3A_209 : vector<1x16xf32> to vector<16xf32>
    %swap3A_211 = vector.shape_cast %convert_element_type3A_205 : vector<16xf32> to vector<1x16xf32>
    tpu.vector_store %arg11[%swap3A_207, %swap3A_208], %swap3A_211 {strides = array<i32>} : memref<8x128xf32, #tpu.memory_space<vmem>>, vector<1x16xf32>,
    %get3A_212 = arith.constant 1 : i32
    %get3A_213 = arith.index_cast %get3A_212 : i32 to index
    %get3A_214 = arith.constant 112 : index
    %get3A_215 = tpu.vector_load %arg10[%get3A_213, %get3A_214] {strides = array<i32>} : memref<8x128xi32, #tpu.memory_space<vmem>>, vector<1x16xi32>,
    %get3A_216 = vector.shape_cast %get3A_215 : vector<1x16xi32> to vector<16xi32>
    %convert_element_type3A_217 = arith.sitofp %get3A_216 : vector<16xi32> to vector<16xf32>
    %swap3A_218 = arith.constant 1 : i32
    %swap3A_219 = arith.index_cast %swap3A_218 : i32 to index
    %swap3A_220 = arith.constant 112 : index
    %swap3A_221 = tpu.vector_load %arg11[%swap3A_219, %swap3A_220] {strides = array<i32>} : memref<8x128xf32, #tpu.memory_space<vmem>>, vector<1x16xf32>,
    %swap3A_222 = vector.shape_cast %swap3A_221 : vector<1x16xf32> to vector<16xf32>
    %swap3A_223 = vector.shape_cast %convert_element_type3A_217 : vector<16xf32> to vector<1x16xf32>
    tpu.vector_store %arg11[%swap3A_219, %swap3A_220], %swap3A_223 {strides = array<i32>} : memref<8x128xf32, #tpu.memory_space<vmem>>, vector<1x16xf32>,
    %get3A_224 = arith.constant 2 : i32
    %get3A_225 = arith.index_cast %get3A_224 : i32 to index
    %get3A_226 = arith.constant 0 : index
    %get3A_227 = tpu.vector_load %arg10[%get3A_225, %get3A_226] {strides = array<i32>} : memref<8x128xi32, #tpu.memory_space<vmem>>, vector<1x16xi32>,
    %get3A_228 = vector.shape_cast %get3A_227 : vector<1x16xi32> to vector<16xi32>
    %convert_element_type3A_229 = arith.sitofp %get3A_228 : vector<16xi32> to vector<16xf32>
    %swap3A_230 = arith.constant 2 : i32
    %swap3A_231 = arith.index_cast %swap3A_230 : i32 to index
    %swap3A_232 = arith.constant 0 : index
    %swap3A_233 = tpu.vector_load %arg11[%swap3A_231, %swap3A_232] {strides = array<i32>} : memref<8x128xf32, #tpu.memory_space<vmem>>, vector<1x16xf32>,
    %swap3A_234 = vector.shape_cast %swap3A_233 : vector<1x16xf32> to vector<16xf32>
    %swap3A_235 = vector.shape_cast %convert_element_type3A_229 : vector<16xf32> to vector<1x16xf32>
    tpu.vector_store %arg11[%swap3A_231, %swap3A_232], %swap3A_235 {strides = array<i32>} : memref<8x128xf32, #tpu.memory_space<vmem>>, vector<1x16xf32>,
    %get3A_236 = arith.constant 2 : i32
    %get3A_237 = arith.index_cast %get3A_236 : i32 to index
    %get3A_238 = arith.constant 16 : index
    %get3A_239 = tpu.vector_load %arg10[%get3A_237, %get3A_238] {strides = array<i32>} : memref<8x128xi32, #tpu.memory_space<vmem>>, vector<1x16xi32>,
    %get3A_240 = vector.shape_cast %get3A_239 : vector<1x16xi32> to vector<16xi32>
    %convert_element_type3A_241 = arith.sitofp %get3A_240 : vector<16xi32> to vector<16xf32>
    %swap3A_242 = arith.constant 2 : i32
    %swap3A_243 = arith.index_cast %swap3A_242 : i32 to index
    %swap3A_244 = arith.constant 16 : index
    %swap3A_245 = tpu.vector_load %arg11[%swap3A_243, %swap3A_244] {strides = array<i32>} : memref<8x128xf32, #tpu.memory_space<vmem>>, vector<1x16xf32>,
    %swap3A_246 = vector.shape_cast %swap3A_245 : vector<1x16xf32> to vector<16xf32>
    %swap3A_247 = vector.shape_cast %convert_element_type3A_241 : vector<16xf32> to vector<1x16xf32>
    tpu.vector_store %arg11[%swap3A_243, %swap3A_244], %swap3A_247 {strides = array<i32>} : memref<8x128xf32, #tpu.memory_space<vmem>>, vector<1x16xf32>,
    %get3A_248 = arith.constant 2 : i32
    %get3A_249 = arith.index_cast %get3A_248 : i32 to index
    %get3A_250 = arith.constant 32 : index
    %get3A_251 = tpu.vector_load %arg10[%get3A_249, %get3A_250] {strides = array<i32>} : memref<8x128xi32, #tpu.memory_space<vmem>>, vector<1x16xi32>,
    %get3A_252 = vector.shape_cast %get3A_251 : vector<1x16xi32> to vector<16xi32>
    %convert_element_type3A_253 = arith.sitofp %get3A_252 : vector<16xi32> to vector<16xf32>
    %swap3A_254 = arith.constant 2 : i32
    %swap3A_255 = arith.index_cast %swap3A_254 : i32 to index
    %swap3A_256 = arith.constant 32 : index
    %swap3A_257 = tpu.vector_load %arg11[%swap3A_255, %swap3A_256] {strides = array<i32>} : memref<8x128xf32, #tpu.memory_space<vmem>>, vector<1x16xf32>,
    %swap3A_258 = vector.shape_cast %swap3A_257 : vector<1x16xf32> to vector<16xf32>
    %swap3A_259 = vector.shape_cast %convert_element_type3A_253 : vector<16xf32> to vector<1x16xf32>
    tpu.vector_store %arg11[%swap3A_255, %swap3A_256], %swap3A_259 {strides = array<i32>} : memref<8x128xf32, #tpu.memory_space<vmem>>, vector<1x16xf32>,
    %get3A_260 = arith.constant 2 : i32
    %get3A_261 = arith.index_cast %get3A_260 : i32 to index
    %get3A_262 = arith.constant 48 : index
    %get3A_263 = tpu.vector_load %arg10[%get3A_261, %get3A_262] {strides = array<i32>} : memref<8x128xi32, #tpu.memory_space<vmem>>, vector<1x16xi32>,
    %get3A_264 = vector.shape_cast %get3A_263 : vector<1x16xi32> to vector<16xi32>
    %convert_element_type3A_265 = arith.sitofp %get3A_264 : vector<16xi32> to vector<16xf32>
    %swap3A_266 = arith.constant 2 : i32
    %swap3A_267 = arith.index_cast %swap3A_266 : i32 to index
    %swap3A_268 = arith.constant 48 : index
    %swap3A_269 = tpu.vector_load %arg11[%swap3A_267, %swap3A_268] {strides = array<i32>} : memref<8x128xf32, #tpu.memory_space<vmem>>, vector<1x16xf32>,
    %swap3A_270 = vector.shape_cast %swap3A_269 : vector<1x16xf32> to vector<16xf32>
    %swap3A_271 = vector.shape_cast %convert_element_type3A_265 : vector<16xf32> to vector<1x16xf32>
    tpu.vector_store %arg11[%swap3A_267, %swap3A_268], %swap3A_271 {strides = array<i32>} : memref<8x128xf32, #tpu.memory_space<vmem>>, vector<1x16xf32>,
    %get3A_272 = arith.constant 2 : i32
    %get3A_273 = arith.index_cast %get3A_272 : i32 to index
    %get3A_274 = arith.constant 64 : index
    %get3A_275 = tpu.vector_load %arg10[%get3A_273, %get3A_274] {strides = array<i32>} : memref<8x128xi32, #tpu.memory_space<vmem>>, vector<1x16xi32>,
    %get3A_276 = vector.shape_cast %get3A_275 : vector<1x16xi32> to vector<16xi32>
    %convert_element_type3A_277 = arith.sitofp %get3A_276 : vector<16xi32> to vector<16xf32>
    %swap3A_278 = arith.constant 2 : i32
    %swap3A_279 = arith.index_cast %swap3A_278 : i32 to index
    %swap3A_280 = arith.constant 64 : index
    %swap3A_281 = tpu.vector_load %arg11[%swap3A_279, %swap3A_280] {strides = array<i32>} : memref<8x128xf32, #tpu.memory_space<vmem>>, vector<1x16xf32>,
    %swap3A_282 = vector.shape_cast %swap3A_281 : vector<1x16xf32> to vector<16xf32>
    %swap3A_283 = vector.shape_cast %convert_element_type3A_277 : vector<16xf32> to vector<1x16xf32>
    tpu.vector_store %arg11[%swap3A_279, %swap3A_280], %swap3A_283 {strides = array<i32>} : memref<8x128xf32, #tpu.memory_space<vmem>>, vector<1x16xf32>,
    %get3A_284 = arith.constant 2 : i32
    %get3A_285 = arith.index_cast %get3A_284 : i32 to index
    %get3A_286 = arith.constant 80 : index
    %get3A_287 = tpu.vector_load %arg10[%get3A_285, %get3A_286] {strides = array<i32>} : memref<8x128xi32, #tpu.memory_space<vmem>>, vector<1x16xi32>,
    %get3A_288 = vector.shape_cast %get3A_287 : vector<1x16xi32> to vector<16xi32>
    %convert_element_type3A_289 = arith.sitofp %get3A_288 : vector<16xi32> to vector<16xf32>
    %swap3A_290 = arith.constant 2 : i32
    %swap3A_291 = arith.index_cast %swap3A_290 : i32 to index
    %swap3A_292 = arith.constant 80 : index
    %swap3A_293 = tpu.vector_load %arg11[%swap3A_291, %swap3A_292] {strides = array<i32>} : memref<8x128xf32, #tpu.memory_space<vmem>>, vector<1x16xf32>,
    %swap3A_294 = vector.shape_cast %swap3A_293 : vector<1x16xf32> to vector<16xf32>
    %swap3A_295 = vector.shape_cast %convert_element_type3A_289 : vector<16xf32> to vector<1x16xf32>
    tpu.vector_store %arg11[%swap3A_291, %swap3A_292], %swap3A_295 {strides = array<i32>} : memref<8x128xf32, #tpu.memory_space<vmem>>, vector<1x16xf32>,
    %get3A_296 = arith.constant 2 : i32
    %get3A_297 = arith.index_cast %get3A_296 : i32 to index
    %get3A_298 = arith.constant 96 : index
    %get3A_299 = tpu.vector_load %arg10[%get3A_297, %get3A_298] {strides = array<i32>} : memref<8x128xi32, #tpu.memory_space<vmem>>, vector<1x16xi32>,
    %get3A_300 = vector.shape_cast %get3A_299 : vector<1x16xi32> to vector<16xi32>
    %convert_element_type3A_301 = arith.sitofp %get3A_300 : vector<16xi32> to vector<16xf32>
    %swap3A_302 = arith.constant 2 : i32
    %swap3A_303 = arith.index_cast %swap3A_302 : i32 to index
    %swap3A_304 = arith.constant 96 : index
    %swap3A_305 = tpu.vector_load %arg11[%swap3A_303, %swap3A_304] {strides = array<i32>} : memref<8x128xf32, #tpu.memory_space<vmem>>, vector<1x16xf32>,
    %swap3A_306 = vector.shape_cast %swap3A_305 : vector<1x16xf32> to vector<16xf32>
    %swap3A_307 = vector.shape_cast %convert_element_type3A_301 : vector<16xf32> to vector<1x16xf32>
    tpu.vector_store %arg11[%swap3A_303, %swap3A_304], %swap3A_307 {strides = array<i32>} : memref<8x128xf32, #tpu.memory_space<vmem>>, vector<1x16xf32>,
    %get3A_308 = arith.constant 2 : i32
    %get3A_309 = arith.index_cast %get3A_308 : i32 to index
    %get3A_310 = arith.constant 112 : index
    %get3A_311 = tpu.vector_load %arg10[%get3A_309, %get3A_310] {strides = array<i32>} : memref<8x128xi32, #tpu.memory_space<vmem>>, vector<1x16xi32>,
    %get3A_312 = vector.shape_cast %get3A_311 : vector<1x16xi32> to vector<16xi32>
    %convert_element_type3A_313 = arith.sitofp %get3A_312 : vector<16xi32> to vector<16xf32>
    %swap3A_314 = arith.constant 2 : i32
    %swap3A_315 = arith.index_cast %swap3A_314 : i32 to index
    %swap3A_316 = arith.constant 112 : index
    %swap3A_317 = tpu.vector_load %arg11[%swap3A_315, %swap3A_316] {strides = array<i32>} : memref<8x128xf32, #tpu.memory_space<vmem>>, vector<1x16xf32>,
    %swap3A_318 = vector.shape_cast %swap3A_317 : vector<1x16xf32> to vector<16xf32>
    %swap3A_319 = vector.shape_cast %convert_element_type3A_313 : vector<16xf32> to vector<1x16xf32>
    tpu.vector_store %arg11[%swap3A_315, %swap3A_316], %swap3A_319 {strides = array<i32>} : memref<8x128xf32, #tpu.memory_space<vmem>>, vector<1x16xf32>,
    %get3A_320 = arith.constant 3 : i32
    %get3A_321 = arith.index_cast %get3A_320 : i32 to index
    %get3A_322 = arith.constant 0 : index
    %get3A_323 = tpu.vector_load %arg10[%get3A_321, %get3A_322] {strides = array<i32>} : memref<8x128xi32, #tpu.memory_space<vmem>>, vector<1x16xi32>,
    %get3A_324 = vector.shape_cast %get3A_323 : vector<1x16xi32> to vector<16xi32>
    %convert_element_type3A_325 = arith.sitofp %get3A_324 : vector<16xi32> to vector<16xf32>
    %swap3A_326 = arith.constant 3 : i32
    %swap3A_327 = arith.index_cast %swap3A_326 : i32 to index
    %swap3A_328 = arith.constant 0 : index
    %swap3A_329 = tpu.vector_load %arg11[%swap3A_327, %swap3A_328] {strides = array<i32>} : memref<8x128xf32, #tpu.memory_space<vmem>>, vector<1x16xf32>,
    %swap3A_330 = vector.shape_cast %swap3A_329 : vector<1x16xf32> to vector<16xf32>
    %swap3A_331 = vector.shape_cast %convert_element_type3A_325 : vector<16xf32> to vector<1x16xf32>
    tpu.vector_store %arg11[%swap3A_327, %swap3A_328], %swap3A_331 {strides = array<i32>} : memref<8x128xf32, #tpu.memory_space<vmem>>, vector<1x16xf32>,
    %get3A_332 = arith.constant 3 : i32
    %get3A_333 = arith.index_cast %get3A_332 : i32 to index
    %get3A_334 = arith.constant 16 : index
    %get3A_335 = tpu.vector_load %arg10[%get3A_333, %get3A_334] {strides = array<i32>} : memref<8x128xi32, #tpu.memory_space<vmem>>, vector<1x16xi32>,
    %get3A_336 = vector.shape_cast %get3A_335 : vector<1x16xi32> to vector<16xi32>
    %convert_element_type3A_337 = arith.sitofp %get3A_336 : vector<16xi32> to vector<16xf32>
    %swap3A_338 = arith.constant 3 : i32
    %swap3A_339 = arith.index_cast %swap3A_338 : i32 to index
    %swap3A_340 = arith.constant 16 : index
    %swap3A_341 = tpu.vector_load %arg11[%swap3A_339, %swap3A_340] {strides = array<i32>} : memref<8x128xf32, #tpu.memory_space<vmem>>, vector<1x16xf32>,
    %swap3A_342 = vector.shape_cast %swap3A_341 : vector<1x16xf32> to vector<16xf32>
    %swap3A_343 = vector.shape_cast %convert_element_type3A_337 : vector<16xf32> to vector<1x16xf32>
    tpu.vector_store %arg11[%swap3A_339, %swap3A_340], %swap3A_343 {strides = array<i32>} : memref<8x128xf32, #tpu.memory_space<vmem>>, vector<1x16xf32>,
    %get3A_344 = arith.constant 3 : i32
    %get3A_345 = arith.index_cast %get3A_344 : i32 to index
    %get3A_346 = arith.constant 32 : index
    %get3A_347 = tpu.vector_load %arg10[%get3A_345, %get3A_346] {strides = array<i32>} : memref<8x128xi32, #tpu.memory_space<vmem>>, vector<1x16xi32>,
    %get3A_348 = vector.shape_cast %get3A_347 : vector<1x16xi32> to vector<16xi32>
    %convert_element_type3A_349 = arith.sitofp %get3A_348 : vector<16xi32> to vector<16xf32>
    %swap3A_350 = arith.constant 3 : i32
    %swap3A_351 = arith.index_cast %swap3A_350 : i32 to index
    %swap3A_352 = arith.constant 32 : index
    %swap3A_353 = tpu.vector_load %arg11[%swap3A_351, %swap3A_352] {strides = array<i32>} : memref<8x128xf32, #tpu.memory_space<vmem>>, vector<1x16xf32>,
    %swap3A_354 = vector.shape_cast %swap3A_353 : vector<1x16xf32> to vector<16xf32>
    %swap3A_355 = vector.shape_cast %convert_element_type3A_349 : vector<16xf32> to vector<1x16xf32>
    tpu.vector_store %arg11[%swap3A_351, %swap3A_352], %swap3A_355 {strides = array<i32>} : memref<8x128xf32, #tpu.memory_space<vmem>>, vector<1x16xf32>,
    %get3A_356 = arith.constant 3 : i32
    %get3A_357 = arith.index_cast %get3A_356 : i32 to index
    %get3A_358 = arith.constant 48 : index
    %get3A_359 = tpu.vector_load %arg10[%get3A_357, %get3A_358] {strides = array<i32>} : memref<8x128xi32, #tpu.memory_space<vmem>>, vector<1x16xi32>,
    %get3A_360 = vector.shape_cast %get3A_359 : vector<1x16xi32> to vector<16xi32>
    %convert_element_type3A_361 = arith.sitofp %get3A_360 : vector<16xi32> to vector<16xf32>
    %swap3A_362 = arith.constant 3 : i32
    %swap3A_363 = arith.index_cast %swap3A_362 : i32 to index
    %swap3A_364 = arith.constant 48 : index
    %swap3A_365 = tpu.vector_load %arg11[%swap3A_363, %swap3A_364] {strides = array<i32>} : memref<8x128xf32, #tpu.memory_space<vmem>>, vector<1x16xf32>,
    %swap3A_366 = vector.shape_cast %swap3A_365 : vector<1x16xf32> to vector<16xf32>
    %swap3A_367 = vector.shape_cast %convert_element_type3A_361 : vector<16xf32> to vector<1x16xf32>
    tpu.vector_store %arg11[%swap3A_363, %swap3A_364], %swap3A_367 {strides = array<i32>} : memref<8x128xf32, #tpu.memory_space<vmem>>, vector<1x16xf32>,
    %get3A_368 = arith.constant 3 : i32
    %get3A_369 = arith.index_cast %get3A_368 : i32 to index
    %get3A_370 = arith.constant 64 : index
    %get3A_371 = tpu.vector_load %arg10[%get3A_369, %get3A_370] {strides = array<i32>} : memref<8x128xi32, #tpu.memory_space<vmem>>, vector<1x16xi32>,
    %get3A_372 = vector.shape_cast %get3A_371 : vector<1x16xi32> to vector<16xi32>
    %convert_element_type3A_373 = arith.sitofp %get3A_372 : vector<16xi32> to vector<16xf32>
    %swap3A_374 = arith.constant 3 : i32
    %swap3A_375 = arith.index_cast %swap3A_374 : i32 to index
    %swap3A_376 = arith.constant 64 : index
    %swap3A_377 = tpu.vector_load %arg11[%swap3A_375, %swap3A_376] {strides = array<i32>} : memref<8x128xf32, #tpu.memory_space<vmem>>, vector<1x16xf32>,
    %swap3A_378 = vector.shape_cast %swap3A_377 : vector<1x16xf32> to vector<16xf32>
    %swap3A_379 = vector.shape_cast %convert_element_type3A_373 : vector<16xf32> to vector<1x16xf32>
    tpu.vector_store %arg11[%swap3A_375, %swap3A_376], %swap3A_379 {strides = array<i32>} : memref<8x128xf32, #tpu.memory_space<vmem>>, vector<1x16xf32>,
    %get3A_380 = arith.constant 3 : i32
    %get3A_381 = arith.index_cast %get3A_380 : i32 to index
    %get3A_382 = arith.constant 80 : index
    %get3A_383 = tpu.vector_load %arg10[%get3A_381, %get3A_382] {strides = array<i32>} : memref<8x128xi32, #tpu.memory_space<vmem>>, vector<1x16xi32>,
    %get3A_384 = vector.shape_cast %get3A_383 : vector<1x16xi32> to vector<16xi32>
    %convert_element_type3A_385 = arith.sitofp %get3A_384 : vector<16xi32> to vector<16xf32>
    %swap3A_386 = arith.constant 3 : i32
    %swap3A_387 = arith.index_cast %swap3A_386 : i32 to index
    %swap3A_388 = arith.constant 80 : index
    %swap3A_389 = tpu.vector_load %arg11[%swap3A_387, %swap3A_388] {strides = array<i32>} : memref<8x128xf32, #tpu.memory_space<vmem>>, vector<1x16xf32>,
    %swap3A_390 = vector.shape_cast %swap3A_389 : vector<1x16xf32> to vector<16xf32>
    %swap3A_391 = vector.shape_cast %convert_element_type3A_385 : vector<16xf32> to vector<1x16xf32>
    tpu.vector_store %arg11[%swap3A_387, %swap3A_388], %swap3A_391 {strides = array<i32>} : memref<8x128xf32, #tpu.memory_space<vmem>>, vector<1x16xf32>,
    %get3A_392 = arith.constant 3 : i32
    %get3A_393 = arith.index_cast %get3A_392 : i32 to index
    %get3A_394 = arith.constant 96 : index
    %get3A_395 = tpu.vector_load %arg10[%get3A_393, %get3A_394] {strides = array<i32>} : memref<8x128xi32, #tpu.memory_space<vmem>>, vector<1x16xi32>,
    %get3A_396 = vector.shape_cast %get3A_395 : vector<1x16xi32> to vector<16xi32>
    %convert_element_type3A_397 = arith.sitofp %get3A_396 : vector<16xi32> to vector<16xf32>
    %swap3A_398 = arith.constant 3 : i32
    %swap3A_399 = arith.index_cast %swap3A_398 : i32 to index
    %swap3A_400 = arith.constant 96 : index
    %swap3A_401 = tpu.vector_load %arg11[%swap3A_399, %swap3A_400] {strides = array<i32>} : memref<8x128xf32, #tpu.memory_space<vmem>>, vector<1x16xf32>,
    %swap3A_402 = vector.shape_cast %swap3A_401 : vector<1x16xf32> to vector<16xf32>
    %swap3A_403 = vector.shape_cast %convert_element_type3A_397 : vector<16xf32> to vector<1x16xf32>
    tpu.vector_store %arg11[%swap3A_399, %swap3A_400], %swap3A_403 {strides = array<i32>} : memref<8x128xf32, #tpu.memory_space<vmem>>, vector<1x16xf32>,
    %get3A_404 = arith.constant 3 : i32
    %get3A_405 = arith.index_cast %get3A_404 : i32 to index
    %get3A_406 = arith.constant 112 : index
    %get3A_407 = tpu.vector_load %arg10[%get3A_405, %get3A_406] {strides = array<i32>} : memref<8x128xi32, #tpu.memory_space<vmem>>, vector<1x16xi32>,
    %get3A_408 = vector.shape_cast %get3A_407 : vector<1x16xi32> to vector<16xi32>
    %convert_element_type3A_409 = arith.sitofp %get3A_408 : vector<16xi32> to vector<16xf32>
    %swap3A_410 = arith.constant 3 : i32
    %swap3A_411 = arith.index_cast %swap3A_410 : i32 to index
    %swap3A_412 = arith.constant 112 : index
    %swap3A_413 = tpu.vector_load %arg11[%swap3A_411, %swap3A_412] {strides = array<i32>} : memref<8x128xf32, #tpu.memory_space<vmem>>, vector<1x16xf32>,
    %swap3A_414 = vector.shape_cast %swap3A_413 : vector<1x16xf32> to vector<16xf32>
    %swap3A_415 = vector.shape_cast %convert_element_type3A_409 : vector<16xf32> to vector<1x16xf32>
    tpu.vector_store %arg11[%swap3A_411, %swap3A_412], %swap3A_415 {strides = array<i32>} : memref<8x128xf32, #tpu.memory_space<vmem>>, vector<1x16xf32>,
    %get3A_416 = arith.constant 4 : i32
    %get3A_417 = arith.index_cast %get3A_416 : i32 to index
    %get3A_418 = arith.constant 0 : index
    %get3A_419 = tpu.vector_load %arg10[%get3A_417, %get3A_418] {strides = array<i32>} : memref<8x128xi32, #tpu.memory_space<vmem>>, vector<1x16xi32>,
    %get3A_420 = vector.shape_cast %get3A_419 : vector<1x16xi32> to vector<16xi32>
    %convert_element_type3A_421 = arith.sitofp %get3A_420 : vector<16xi32> to vector<16xf32>
    %swap3A_422 = arith.constant 4 : i32
    %swap3A_423 = arith.index_cast %swap3A_422 : i32 to index
    %swap3A_424 = arith.constant 0 : index
    %swap3A_425 = tpu.vector_load %arg11[%swap3A_423, %swap3A_424] {strides = array<i32>} : memref<8x128xf32, #tpu.memory_space<vmem>>, vector<1x16xf32>,
    %swap3A_426 = vector.shape_cast %swap3A_425 : vector<1x16xf32> to vector<16xf32>
    %swap3A_427 = vector.shape_cast %convert_element_type3A_421 : vector<16xf32> to vector<1x16xf32>
    tpu.vector_store %arg11[%swap3A_423, %swap3A_424], %swap3A_427 {strides = array<i32>} : memref<8x128xf32, #tpu.memory_space<vmem>>, vector<1x16xf32>,
    %get3A_428 = arith.constant 4 : i32
    %get3A_429 = arith.index_cast %get3A_428 : i32 to index
    %get3A_430 = arith.constant 16 : index
    %get3A_431 = tpu.vector_load %arg10[%get3A_429, %get3A_430] {strides = array<i32>} : memref<8x128xi32, #tpu.memory_space<vmem>>, vector<1x16xi32>,
    %get3A_432 = vector.shape_cast %get3A_431 : vector<1x16xi32> to vector<16xi32>
    %convert_element_type3A_433 = arith.sitofp %get3A_432 : vector<16xi32> to vector<16xf32>
    %swap3A_434 = arith.constant 4 : i32
    %swap3A_435 = arith.index_cast %swap3A_434 : i32 to index
    %swap3A_436 = arith.constant 16 : index
    %swap3A_437 = tpu.vector_load %arg11[%swap3A_435, %swap3A_436] {strides = array<i32>} : memref<8x128xf32, #tpu.memory_space<vmem>>, vector<1x16xf32>,
    %swap3A_438 = vector.shape_cast %swap3A_437 : vector<1x16xf32> to vector<16xf32>
    %swap3A_439 = vector.shape_cast %convert_element_type3A_433 : vector<16xf32> to vector<1x16xf32>
    tpu.vector_store %arg11[%swap3A_435, %swap3A_436], %swap3A_439 {strides = array<i32>} : memref<8x128xf32, #tpu.memory_space<vmem>>, vector<1x16xf32>,
    %get3A_440 = arith.constant 4 : i32
    %get3A_441 = arith.index_cast %get3A_440 : i32 to index
    %get3A_442 = arith.constant 32 : index
    %get3A_443 = tpu.vector_load %arg10[%get3A_441, %get3A_442] {strides = array<i32>} : memref<8x128xi32, #tpu.memory_space<vmem>>, vector<1x16xi32>,
    %get3A_444 = vector.shape_cast %get3A_443 : vector<1x16xi32> to vector<16xi32>
    %convert_element_type3A_445 = arith.sitofp %get3A_444 : vector<16xi32> to vector<16xf32>
    %swap3A_446 = arith.constant 4 : i32
    %swap3A_447 = arith.index_cast %swap3A_446 : i32 to index
    %swap3A_448 = arith.constant 32 : index
    %swap3A_449 = tpu.vector_load %arg11[%swap3A_447, %swap3A_448] {strides = array<i32>} : memref<8x128xf32, #tpu.memory_space<vmem>>, vector<1x16xf32>,
    %swap3A_450 = vector.shape_cast %swap3A_449 : vector<1x16xf32> to vector<16xf32>
    %swap3A_451 = vector.shape_cast %convert_element_type3A_445 : vector<16xf32> to vector<1x16xf32>
    tpu.vector_store %arg11[%swap3A_447, %swap3A_448], %swap3A_451 {strides = array<i32>} : memref<8x128xf32, #tpu.memory_space<vmem>>, vector<1x16xf32>,
    %get3A_452 = arith.constant 4 : i32
    %get3A_453 = arith.index_cast %get3A_452 : i32 to index
    %get3A_454 = arith.constant 48 : index
    %get3A_455 = tpu.vector_load %arg10[%get3A_453, %get3A_454] {strides = array<i32>} : memref<8x128xi32, #tpu.memory_space<vmem>>, vector<1x16xi32>,
    %get3A_456 = vector.shape_cast %get3A_455 : vector<1x16xi32> to vector<16xi32>
    %convert_element_type3A_457 = arith.sitofp %get3A_456 : vector<16xi32> to vector<16xf32>
    %swap3A_458 = arith.constant 4 : i32
    %swap3A_459 = arith.index_cast %swap3A_458 : i32 to index
    %swap3A_460 = arith.constant 48 : index
    %swap3A_461 = tpu.vector_load %arg11[%swap3A_459, %swap3A_460] {strides = array<i32>} : memref<8x128xf32, #tpu.memory_space<vmem>>, vector<1x16xf32>,
    %swap3A_462 = vector.shape_cast %swap3A_461 : vector<1x16xf32> to vector<16xf32>
    %swap3A_463 = vector.shape_cast %convert_element_type3A_457 : vector<16xf32> to vector<1x16xf32>
    tpu.vector_store %arg11[%swap3A_459, %swap3A_460], %swap3A_463 {strides = array<i32>} : memref<8x128xf32, #tpu.memory_space<vmem>>, vector<1x16xf32>,
    %get3A_464 = arith.constant 4 : i32
    %get3A_465 = arith.index_cast %get3A_464 : i32 to index
    %get3A_466 = arith.constant 64 : index
    %get3A_467 = tpu.vector_load %arg10[%get3A_465, %get3A_466] {strides = array<i32>} : memref<8x128xi32, #tpu.memory_space<vmem>>, vector<1x16xi32>,
    %get3A_468 = vector.shape_cast %get3A_467 : vector<1x16xi32> to vector<16xi32>
    %convert_element_type3A_469 = arith.sitofp %get3A_468 : vector<16xi32> to vector<16xf32>
    %swap3A_470 = arith.constant 4 : i32
    %swap3A_471 = arith.index_cast %swap3A_470 : i32 to index
    %swap3A_472 = arith.constant 64 : index
    %swap3A_473 = tpu.vector_load %arg11[%swap3A_471, %swap3A_472] {strides = array<i32>} : memref<8x128xf32, #tpu.memory_space<vmem>>, vector<1x16xf32>,
    %swap3A_474 = vector.shape_cast %swap3A_473 : vector<1x16xf32> to vector<16xf32>
    %swap3A_475 = vector.shape_cast %convert_element_type3A_469 : vector<16xf32> to vector<1x16xf32>
    tpu.vector_store %arg11[%swap3A_471, %swap3A_472], %swap3A_475 {strides = array<i32>} : memref<8x128xf32, #tpu.memory_space<vmem>>, vector<1x16xf32>,
    %get3A_476 = arith.constant 4 : i32
    %get3A_477 = arith.index_cast %get3A_476 : i32 to index
    %get3A_478 = arith.constant 80 : index
    %get3A_479 = tpu.vector_load %arg10[%get3A_477, %get3A_478] {strides = array<i32>} : memref<8x128xi32, #tpu.memory_space<vmem>>, vector<1x16xi32>,
    %get3A_480 = vector.shape_cast %get3A_479 : vector<1x16xi32> to vector<16xi32>
    %convert_element_type3A_481 = arith.sitofp %get3A_480 : vector<16xi32> to vector<16xf32>
    %swap3A_482 = arith.constant 4 : i32
    %swap3A_483 = arith.index_cast %swap3A_482 : i32 to index
    %swap3A_484 = arith.constant 80 : index
    %swap3A_485 = tpu.vector_load %arg11[%swap3A_483, %swap3A_484] {strides = array<i32>} : memref<8x128xf32, #tpu.memory_space<vmem>>, vector<1x16xf32>,
    %swap3A_486 = vector.shape_cast %swap3A_485 : vector<1x16xf32> to vector<16xf32>
    %swap3A_487 = vector.shape_cast %convert_element_type3A_481 : vector<16xf32> to vector<1x16xf32>
    tpu.vector_store %arg11[%swap3A_483, %swap3A_484], %swap3A_487 {strides = array<i32>} : memref<8x128xf32, #tpu.memory_space<vmem>>, vector<1x16xf32>,
    %get3A_488 = arith.constant 4 : i32
    %get3A_489 = arith.index_cast %get3A_488 : i32 to index
    %get3A_490 = arith.constant 96 : index
    %get3A_491 = tpu.vector_load %arg10[%get3A_489, %get3A_490] {strides = array<i32>} : memref<8x128xi32, #tpu.memory_space<vmem>>, vector<1x16xi32>,
    %get3A_492 = vector.shape_cast %get3A_491 : vector<1x16xi32> to vector<16xi32>
    %convert_element_type3A_493 = arith.sitofp %get3A_492 : vector<16xi32> to vector<16xf32>
    %swap3A_494 = arith.constant 4 : i32
    %swap3A_495 = arith.index_cast %swap3A_494 : i32 to index
    %swap3A_496 = arith.constant 96 : index
    %swap3A_497 = tpu.vector_load %arg11[%swap3A_495, %swap3A_496] {strides = array<i32>} : memref<8x128xf32, #tpu.memory_space<vmem>>, vector<1x16xf32>,
    %swap3A_498 = vector.shape_cast %swap3A_497 : vector<1x16xf32> to vector<16xf32>
    %swap3A_499 = vector.shape_cast %convert_element_type3A_493 : vector<16xf32> to vector<1x16xf32>
    tpu.vector_store %arg11[%swap3A_495, %swap3A_496], %swap3A_499 {strides = array<i32>} : memref<8x128xf32, #tpu.memory_space<vmem>>, vector<1x16xf32>,
    %get3A_500 = arith.constant 4 : i32
    %get3A_501 = arith.index_cast %get3A_500 : i32 to index
    %get3A_502 = arith.constant 112 : index
    %get3A_503 = tpu.vector_load %arg10[%get3A_501, %get3A_502] {strides = array<i32>} : memref<8x128xi32, #tpu.memory_space<vmem>>, vector<1x16xi32>,
    %get3A_504 = vector.shape_cast %get3A_503 : vector<1x16xi32> to vector<16xi32>
    %convert_element_type3A_505 = arith.sitofp %get3A_504 : vector<16xi32> to vector<16xf32>
    %swap3A_506 = arith.constant 4 : i32
    %swap3A_507 = arith.index_cast %swap3A_506 : i32 to index
    %swap3A_508 = arith.constant 112 : index
    %swap3A_509 = tpu.vector_load %arg11[%swap3A_507, %swap3A_508] {strides = array<i32>} : memref<8x128xf32, #tpu.memory_space<vmem>>, vector<1x16xf32>,
    %swap3A_510 = vector.shape_cast %swap3A_509 : vector<1x16xf32> to vector<16xf32>
    %swap3A_511 = vector.shape_cast %convert_element_type3A_505 : vector<16xf32> to vector<1x16xf32>
    tpu.vector_store %arg11[%swap3A_507, %swap3A_508], %swap3A_511 {strides = array<i32>} : memref<8x128xf32, #tpu.memory_space<vmem>>, vector<1x16xf32>,
    %get3A_512 = arith.constant 5 : i32
    %get3A_513 = arith.index_cast %get3A_512 : i32 to index
    %get3A_514 = arith.constant 0 : index
    %get3A_515 = tpu.vector_load %arg10[%get3A_513, %get3A_514] {strides = array<i32>} : memref<8x128xi32, #tpu.memory_space<vmem>>, vector<1x16xi32>,
    %get3A_516 = vector.shape_cast %get3A_515 : vector<1x16xi32> to vector<16xi32>
    %convert_element_type3A_517 = arith.sitofp %get3A_516 : vector<16xi32> to vector<16xf32>
    %swap3A_518 = arith.constant 5 : i32
    %swap3A_519 = arith.index_cast %swap3A_518 : i32 to index
    %swap3A_520 = arith.constant 0 : index
    %swap3A_521 = tpu.vector_load %arg11[%swap3A_519, %swap3A_520] {strides = array<i32>} : memref<8x128xf32, #tpu.memory_space<vmem>>, vector<1x16xf32>,
    %swap3A_522 = vector.shape_cast %swap3A_521 : vector<1x16xf32> to vector<16xf32>
    %swap3A_523 = vector.shape_cast %convert_element_type3A_517 : vector<16xf32> to vector<1x16xf32>
    tpu.vector_store %arg11[%swap3A_519, %swap3A_520], %swap3A_523 {strides = array<i32>} : memref<8x128xf32, #tpu.memory_space<vmem>>, vector<1x16xf32>,
    %get3A_524 = arith.constant 5 : i32
    %get3A_525 = arith.index_cast %get3A_524 : i32 to index
    %get3A_526 = arith.constant 16 : index
    %get3A_527 = tpu.vector_load %arg10[%get3A_525, %get3A_526] {strides = array<i32>} : memref<8x128xi32, #tpu.memory_space<vmem>>, vector<1x16xi32>,
    %get3A_528 = vector.shape_cast %get3A_527 : vector<1x16xi32> to vector<16xi32>
    %convert_element_type3A_529 = arith.sitofp %get3A_528 : vector<16xi32> to vector<16xf32>
    %swap3A_530 = arith.constant 5 : i32
    %swap3A_531 = arith.index_cast %swap3A_530 : i32 to index
    %swap3A_532 = arith.constant 16 : index
    %swap3A_533 = tpu.vector_load %arg11[%swap3A_531, %swap3A_532] {strides = array<i32>} : memref<8x128xf32, #tpu.memory_space<vmem>>, vector<1x16xf32>,
    %swap3A_534 = vector.shape_cast %swap3A_533 : vector<1x16xf32> to vector<16xf32>
    %swap3A_535 = vector.shape_cast %convert_element_type3A_529 : vector<16xf32> to vector<1x16xf32>
    tpu.vector_store %arg11[%swap3A_531, %swap3A_532], %swap3A_535 {strides = array<i32>} : memref<8x128xf32, #tpu.memory_space<vmem>>, vector<1x16xf32>,
    %get3A_536 = arith.constant 5 : i32
    %get3A_537 = arith.index_cast %get3A_536 : i32 to index
    %get3A_538 = arith.constant 32 : index
    %get3A_539 = tpu.vector_load %arg10[%get3A_537, %get3A_538] {strides = array<i32>} : memref<8x128xi32, #tpu.memory_space<vmem>>, vector<1x16xi32>,
    %get3A_540 = vector.shape_cast %get3A_539 : vector<1x16xi32> to vector<16xi32>
    %convert_element_type3A_541 = arith.sitofp %get3A_540 : vector<16xi32> to vector<16xf32>
    %swap3A_542 = arith.constant 5 : i32
    %swap3A_543 = arith.index_cast %swap3A_542 : i32 to index
    %swap3A_544 = arith.constant 32 : index
    %swap3A_545 = tpu.vector_load %arg11[%swap3A_543, %swap3A_544] {strides = array<i32>} : memref<8x128xf32, #tpu.memory_space<vmem>>, vector<1x16xf32>,
    %swap3A_546 = vector.shape_cast %swap3A_545 : vector<1x16xf32> to vector<16xf32>
    %swap3A_547 = vector.shape_cast %convert_element_type3A_541 : vector<16xf32> to vector<1x16xf32>
    tpu.vector_store %arg11[%swap3A_543, %swap3A_544], %swap3A_547 {strides = array<i32>} : memref<8x128xf32, #tpu.memory_space<vmem>>, vector<1x16xf32>,
    %get3A_548 = arith.constant 5 : i32
    %get3A_549 = arith.index_cast %get3A_548 : i32 to index
    %get3A_550 = arith.constant 48 : index
    %get3A_551 = tpu.vector_load %arg10[%get3A_549, %get3A_550] {strides = array<i32>} : memref<8x128xi32, #tpu.memory_space<vmem>>, vector<1x16xi32>,
    %get3A_552 = vector.shape_cast %get3A_551 : vector<1x16xi32> to vector<16xi32>
    %convert_element_type3A_553 = arith.sitofp %get3A_552 : vector<16xi32> to vector<16xf32>
    %swap3A_554 = arith.constant 5 : i32
    %swap3A_555 = arith.index_cast %swap3A_554 : i32 to index
    %swap3A_556 = arith.constant 48 : index
    %swap3A_557 = tpu.vector_load %arg11[%swap3A_555, %swap3A_556] {strides = array<i32>} : memref<8x128xf32, #tpu.memory_space<vmem>>, vector<1x16xf32>,
    %swap3A_558 = vector.shape_cast %swap3A_557 : vector<1x16xf32> to vector<16xf32>
    %swap3A_559 = vector.shape_cast %convert_element_type3A_553 : vector<16xf32> to vector<1x16xf32>
    tpu.vector_store %arg11[%swap3A_555, %swap3A_556], %swap3A_559 {strides = array<i32>} : memref<8x128xf32, #tpu.memory_space<vmem>>, vector<1x16xf32>,
    %get3A_560 = arith.constant 5 : i32
    %get3A_561 = arith.index_cast %get3A_560 : i32 to index
    %get3A_562 = arith.constant 64 : index
    %get3A_563 = tpu.vector_load %arg10[%get3A_561, %get3A_562] {strides = array<i32>} : memref<8x128xi32, #tpu.memory_space<vmem>>, vector<1x16xi32>,
    %get3A_564 = vector.shape_cast %get3A_563 : vector<1x16xi32> to vector<16xi32>
    %convert_element_type3A_565 = arith.sitofp %get3A_564 : vector<16xi32> to vector<16xf32>
    %swap3A_566 = arith.constant 5 : i32
    %swap3A_567 = arith.index_cast %swap3A_566 : i32 to index
    %swap3A_568 = arith.constant 64 : index
    %swap3A_569 = tpu.vector_load %arg11[%swap3A_567, %swap3A_568] {strides = array<i32>} : memref<8x128xf32, #tpu.memory_space<vmem>>, vector<1x16xf32>,
    %swap3A_570 = vector.shape_cast %swap3A_569 : vector<1x16xf32> to vector<16xf32>
    %swap3A_571 = vector.shape_cast %convert_element_type3A_565 : vector<16xf32> to vector<1x16xf32>
    tpu.vector_store %arg11[%swap3A_567, %swap3A_568], %swap3A_571 {strides = array<i32>} : memref<8x128xf32, #tpu.memory_space<vmem>>, vector<1x16xf32>,
    %get3A_572 = arith.constant 5 : i32
    %get3A_573 = arith.index_cast %get3A_572 : i32 to index
    %get3A_574 = arith.constant 80 : index
    %get3A_575 = tpu.vector_load %arg10[%get3A_573, %get3A_574] {strides = array<i32>} : memref<8x128xi32, #tpu.memory_space<vmem>>, vector<1x16xi32>,
    %get3A_576 = vector.shape_cast %get3A_575 : vector<1x16xi32> to vector<16xi32>
    %convert_element_type3A_577 = arith.sitofp %get3A_576 : vector<16xi32> to vector<16xf32>
    %swap3A_578 = arith.constant 5 : i32
    %swap3A_579 = arith.index_cast %swap3A_578 : i32 to index
    %swap3A_580 = arith.constant 80 : index
    %swap3A_581 = tpu.vector_load %arg11[%swap3A_579, %swap3A_580] {strides = array<i32>} : memref<8x128xf32, #tpu.memory_space<vmem>>, vector<1x16xf32>,
    %swap3A_582 = vector.shape_cast %swap3A_581 : vector<1x16xf32> to vector<16xf32>
    %swap3A_583 = vector.shape_cast %convert_element_type3A_577 : vector<16xf32> to vector<1x16xf32>
    tpu.vector_store %arg11[%swap3A_579, %swap3A_580], %swap3A_583 {strides = array<i32>} : memref<8x128xf32, #tpu.memory_space<vmem>>, vector<1x16xf32>,
    %get3A_584 = arith.constant 5 : i32
    %get3A_585 = arith.index_cast %get3A_584 : i32 to index
    %get3A_586 = arith.constant 96 : index
    %get3A_587 = tpu.vector_load %arg10[%get3A_585, %get3A_586] {strides = array<i32>} : memref<8x128xi32, #tpu.memory_space<vmem>>, vector<1x16xi32>,
    %get3A_588 = vector.shape_cast %get3A_587 : vector<1x16xi32> to vector<16xi32>
    %convert_element_type3A_589 = arith.sitofp %get3A_588 : vector<16xi32> to vector<16xf32>
    %swap3A_590 = arith.constant 5 : i32
    %swap3A_591 = arith.index_cast %swap3A_590 : i32 to index
    %swap3A_592 = arith.constant 96 : index
    %swap3A_593 = tpu.vector_load %arg11[%swap3A_591, %swap3A_592] {strides = array<i32>} : memref<8x128xf32, #tpu.memory_space<vmem>>, vector<1x16xf32>,
    %swap3A_594 = vector.shape_cast %swap3A_593 : vector<1x16xf32> to vector<16xf32>
    %swap3A_595 = vector.shape_cast %convert_element_type3A_589 : vector<16xf32> to vector<1x16xf32>
    tpu.vector_store %arg11[%swap3A_591, %swap3A_592], %swap3A_595 {strides = array<i32>} : memref<8x128xf32, #tpu.memory_space<vmem>>, vector<1x16xf32>,
    %get3A_596 = arith.constant 5 : i32
    %get3A_597 = arith.index_cast %get3A_596 : i32 to index
    %get3A_598 = arith.constant 112 : index
    %get3A_599 = tpu.vector_load %arg10[%get3A_597, %get3A_598] {strides = array<i32>} : memref<8x128xi32, #tpu.memory_space<vmem>>, vector<1x16xi32>,
    %get3A_600 = vector.shape_cast %get3A_599 : vector<1x16xi32> to vector<16xi32>
    %convert_element_type3A_601 = arith.sitofp %get3A_600 : vector<16xi32> to vector<16xf32>
    %swap3A_602 = arith.constant 5 : i32
    %swap3A_603 = arith.index_cast %swap3A_602 : i32 to index
    %swap3A_604 = arith.constant 112 : index
    %swap3A_605 = tpu.vector_load %arg11[%swap3A_603, %swap3A_604] {strides = array<i32>} : memref<8x128xf32, #tpu.memory_space<vmem>>, vector<1x16xf32>,
    %swap3A_606 = vector.shape_cast %swap3A_605 : vector<1x16xf32> to vector<16xf32>
    %swap3A_607 = vector.shape_cast %convert_element_type3A_601 : vector<16xf32> to vector<1x16xf32>
    tpu.vector_store %arg11[%swap3A_603, %swap3A_604], %swap3A_607 {strides = array<i32>} : memref<8x128xf32, #tpu.memory_space<vmem>>, vector<1x16xf32>,
    %get3A_608 = arith.constant 6 : i32
    %get3A_609 = arith.index_cast %get3A_608 : i32 to index
    %get3A_610 = arith.constant 0 : index
    %get3A_611 = tpu.vector_load %arg10[%get3A_609, %get3A_610] {strides = array<i32>} : memref<8x128xi32, #tpu.memory_space<vmem>>, vector<1x16xi32>,
    %get3A_612 = vector.shape_cast %get3A_611 : vector<1x16xi32> to vector<16xi32>
    %convert_element_type3A_613 = arith.sitofp %get3A_612 : vector<16xi32> to vector<16xf32>
    %swap3A_614 = arith.constant 6 : i32
    %swap3A_615 = arith.index_cast %swap3A_614 : i32 to index
    %swap3A_616 = arith.constant 0 : index
    %swap3A_617 = tpu.vector_load %arg11[%swap3A_615, %swap3A_616] {strides = array<i32>} : memref<8x128xf32, #tpu.memory_space<vmem>>, vector<1x16xf32>,
    %swap3A_618 = vector.shape_cast %swap3A_617 : vector<1x16xf32> to vector<16xf32>
    %swap3A_619 = vector.shape_cast %convert_element_type3A_613 : vector<16xf32> to vector<1x16xf32>
    tpu.vector_store %arg11[%swap3A_615, %swap3A_616], %swap3A_619 {strides = array<i32>} : memref<8x128xf32, #tpu.memory_space<vmem>>, vector<1x16xf32>,
    %get3A_620 = arith.constant 6 : i32
    %get3A_621 = arith.index_cast %get3A_620 : i32 to index
    %get3A_622 = arith.constant 16 : index
    %get3A_623 = tpu.vector_load %arg10[%get3A_621, %get3A_622] {strides = array<i32>} : memref<8x128xi32, #tpu.memory_space<vmem>>, vector<1x16xi32>,
    %get3A_624 = vector.shape_cast %get3A_623 : vector<1x16xi32> to vector<16xi32>
    %convert_element_type3A_625 = arith.sitofp %get3A_624 : vector<16xi32> to vector<16xf32>
    %swap3A_626 = arith.constant 6 : i32
    %swap3A_627 = arith.index_cast %swap3A_626 : i32 to index
    %swap3A_628 = arith.constant 16 : index
    %swap3A_629 = tpu.vector_load %arg11[%swap3A_627, %swap3A_628] {strides = array<i32>} : memref<8x128xf32, #tpu.memory_space<vmem>>, vector<1x16xf32>,
    %swap3A_630 = vector.shape_cast %swap3A_629 : vector<1x16xf32> to vector<16xf32>
    %swap3A_631 = vector.shape_cast %convert_element_type3A_625 : vector<16xf32> to vector<1x16xf32>
    tpu.vector_store %arg11[%swap3A_627, %swap3A_628], %swap3A_631 {strides = array<i32>} : memref<8x128xf32, #tpu.memory_space<vmem>>, vector<1x16xf32>,
    %get3A_632 = arith.constant 6 : i32
    %get3A_633 = arith.index_cast %get3A_632 : i32 to index
    %get3A_634 = arith.constant 32 : index
    %get3A_635 = tpu.vector_load %arg10[%get3A_633, %get3A_634] {strides = array<i32>} : memref<8x128xi32, #tpu.memory_space<vmem>>, vector<1x16xi32>,
    %get3A_636 = vector.shape_cast %get3A_635 : vector<1x16xi32> to vector<16xi32>
    %convert_element_type3A_637 = arith.sitofp %get3A_636 : vector<16xi32> to vector<16xf32>
    %swap3A_638 = arith.constant 6 : i32
    %swap3A_639 = arith.index_cast %swap3A_638 : i32 to index
    %swap3A_640 = arith.constant 32 : index
    %swap3A_641 = tpu.vector_load %arg11[%swap3A_639, %swap3A_640] {strides = array<i32>} : memref<8x128xf32, #tpu.memory_space<vmem>>, vector<1x16xf32>,
    %swap3A_642 = vector.shape_cast %swap3A_641 : vector<1x16xf32> to vector<16xf32>
    %swap3A_643 = vector.shape_cast %convert_element_type3A_637 : vector<16xf32> to vector<1x16xf32>
    tpu.vector_store %arg11[%swap3A_639, %swap3A_640], %swap3A_643 {strides = array<i32>} : memref<8x128xf32, #tpu.memory_space<vmem>>, vector<1x16xf32>,
    %get3A_644 = arith.constant 6 : i32
    %get3A_645 = arith.index_cast %get3A_644 : i32 to index
    %get3A_646 = arith.constant 48 : index
    %get3A_647 = tpu.vector_load %arg10[%get3A_645, %get3A_646] {strides = array<i32>} : memref<8x128xi32, #tpu.memory_space<vmem>>, vector<1x16xi32>,
    %get3A_648 = vector.shape_cast %get3A_647 : vector<1x16xi32> to vector<16xi32>
    %convert_element_type3A_649 = arith.sitofp %get3A_648 : vector<16xi32> to vector<16xf32>
    %swap3A_650 = arith.constant 6 : i32
    %swap3A_651 = arith.index_cast %swap3A_650 : i32 to index
    %swap3A_652 = arith.constant 48 : index
    %swap3A_653 = tpu.vector_load %arg11[%swap3A_651, %swap3A_652] {strides = array<i32>} : memref<8x128xf32, #tpu.memory_space<vmem>>, vector<1x16xf32>,
    %swap3A_654 = vector.shape_cast %swap3A_653 : vector<1x16xf32> to vector<16xf32>
    %swap3A_655 = vector.shape_cast %convert_element_type3A_649 : vector<16xf32> to vector<1x16xf32>
    tpu.vector_store %arg11[%swap3A_651, %swap3A_652], %swap3A_655 {strides = array<i32>} : memref<8x128xf32, #tpu.memory_space<vmem>>, vector<1x16xf32>,
    %get3A_656 = arith.constant 6 : i32
    %get3A_657 = arith.index_cast %get3A_656 : i32 to index
    %get3A_658 = arith.constant 64 : index
    %get3A_659 = tpu.vector_load %arg10[%get3A_657, %get3A_658] {strides = array<i32>} : memref<8x128xi32, #tpu.memory_space<vmem>>, vector<1x16xi32>,
    %get3A_660 = vector.shape_cast %get3A_659 : vector<1x16xi32> to vector<16xi32>
    %convert_element_type3A_661 = arith.sitofp %get3A_660 : vector<16xi32> to vector<16xf32>
    %swap3A_662 = arith.constant 6 : i32
    %swap3A_663 = arith.index_cast %swap3A_662 : i32 to index
    %swap3A_664 = arith.constant 64 : index
    %swap3A_665 = tpu.vector_load %arg11[%swap3A_663, %swap3A_664] {strides = array<i32>} : memref<8x128xf32, #tpu.memory_space<vmem>>, vector<1x16xf32>,
    %swap3A_666 = vector.shape_cast %swap3A_665 : vector<1x16xf32> to vector<16xf32>
    %swap3A_667 = vector.shape_cast %convert_element_type3A_661 : vector<16xf32> to vector<1x16xf32>
    tpu.vector_store %arg11[%swap3A_663, %swap3A_664], %swap3A_667 {strides = array<i32>} : memref<8x128xf32, #tpu.memory_space<vmem>>, vector<1x16xf32>,
    %get3A_668 = arith.constant 6 : i32
    %get3A_669 = arith.index_cast %get3A_668 : i32 to index
    %get3A_670 = arith.constant 80 : index
    %get3A_671 = tpu.vector_load %arg10[%get3A_669, %get3A_670] {strides = array<i32>} : memref<8x128xi32, #tpu.memory_space<vmem>>, vector<1x16xi32>,
    %get3A_672 = vector.shape_cast %get3A_671 : vector<1x16xi32> to vector<16xi32>
    %convert_element_type3A_673 = arith.sitofp %get3A_672 : vector<16xi32> to vector<16xf32>
    %swap3A_674 = arith.constant 6 : i32
    %swap3A_675 = arith.index_cast %swap3A_674 : i32 to index
    %swap3A_676 = arith.constant 80 : index
    %swap3A_677 = tpu.vector_load %arg11[%swap3A_675, %swap3A_676] {strides = array<i32>} : memref<8x128xf32, #tpu.memory_space<vmem>>, vector<1x16xf32>,
    %swap3A_678 = vector.shape_cast %swap3A_677 : vector<1x16xf32> to vector<16xf32>
    %swap3A_679 = vector.shape_cast %convert_element_type3A_673 : vector<16xf32> to vector<1x16xf32>
    tpu.vector_store %arg11[%swap3A_675, %swap3A_676], %swap3A_679 {strides = array<i32>} : memref<8x128xf32, #tpu.memory_space<vmem>>, vector<1x16xf32>,
    %get3A_680 = arith.constant 6 : i32
    %get3A_681 = arith.index_cast %get3A_680 : i32 to index
    %get3A_682 = arith.constant 96 : index
    %get3A_683 = tpu.vector_load %arg10[%get3A_681, %get3A_682] {strides = array<i32>} : memref<8x128xi32, #tpu.memory_space<vmem>>, vector<1x16xi32>,
    %get3A_684 = vector.shape_cast %get3A_683 : vector<1x16xi32> to vector<16xi32>
    %convert_element_type3A_685 = arith.sitofp %get3A_684 : vector<16xi32> to vector<16xf32>
    %swap3A_686 = arith.constant 6 : i32
    %swap3A_687 = arith.index_cast %swap3A_686 : i32 to index
    %swap3A_688 = arith.constant 96 : index
    %swap3A_689 = tpu.vector_load %arg11[%swap3A_687, %swap3A_688] {strides = array<i32>} : memref<8x128xf32, #tpu.memory_space<vmem>>, vector<1x16xf32>,
    %swap3A_690 = vector.shape_cast %swap3A_689 : vector<1x16xf32> to vector<16xf32>
    %swap3A_691 = vector.shape_cast %convert_element_type3A_685 : vector<16xf32> to vector<1x16xf32>
    tpu.vector_store %arg11[%swap3A_687, %swap3A_688], %swap3A_691 {strides = array<i32>} : memref<8x128xf32, #tpu.memory_space<vmem>>, vector<1x16xf32>,
    %get3A_692 = arith.constant 6 : i32
    %get3A_693 = arith.index_cast %get3A_692 : i32 to index
    %get3A_694 = arith.constant 112 : index
    %get3A_695 = tpu.vector_load %arg10[%get3A_693, %get3A_694] {strides = array<i32>} : memref<8x128xi32, #tpu.memory_space<vmem>>, vector<1x16xi32>,
    %get3A_696 = vector.shape_cast %get3A_695 : vector<1x16xi32> to vector<16xi32>
    %convert_element_type3A_697 = arith.sitofp %get3A_696 : vector<16xi32> to vector<16xf32>
    %swap3A_698 = arith.constant 6 : i32
    %swap3A_699 = arith.index_cast %swap3A_698 : i32 to index
    %swap3A_700 = arith.constant 112 : index
    %swap3A_701 = tpu.vector_load %arg11[%swap3A_699, %swap3A_700] {strides = array<i32>} : memref<8x128xf32, #tpu.memory_space<vmem>>, vector<1x16xf32>,
    %swap3A_702 = vector.shape_cast %swap3A_701 : vector<1x16xf32> to vector<16xf32>
    %swap3A_703 = vector.shape_cast %convert_element_type3A_697 : vector<16xf32> to vector<1x16xf32>
    tpu.vector_store %arg11[%swap3A_699, %swap3A_700], %swap3A_703 {strides = array<i32>} : memref<8x128xf32, #tpu.memory_space<vmem>>, vector<1x16xf32>,
    %get3A_704 = arith.constant 7 : i32
    %get3A_705 = arith.index_cast %get3A_704 : i32 to index
    %get3A_706 = arith.constant 0 : index
    %get3A_707 = tpu.vector_load %arg10[%get3A_705, %get3A_706] {strides = array<i32>} : memref<8x128xi32, #tpu.memory_space<vmem>>, vector<1x16xi32>,
    %get3A_708 = vector.shape_cast %get3A_707 : vector<1x16xi32> to vector<16xi32>
    %convert_element_type3A_709 = arith.sitofp %get3A_708 : vector<16xi32> to vector<16xf32>
    %swap3A_710 = arith.constant 7 : i32
    %swap3A_711 = arith.index_cast %swap3A_710 : i32 to index
    %swap3A_712 = arith.constant 0 : index
    %swap3A_713 = tpu.vector_load %arg11[%swap3A_711, %swap3A_712] {strides = array<i32>} : memref<8x128xf32, #tpu.memory_space<vmem>>, vector<1x16xf32>,
    %swap3A_714 = vector.shape_cast %swap3A_713 : vector<1x16xf32> to vector<16xf32>
    %swap3A_715 = vector.shape_cast %convert_element_type3A_709 : vector<16xf32> to vector<1x16xf32>
    tpu.vector_store %arg11[%swap3A_711, %swap3A_712], %swap3A_715 {strides = array<i32>} : memref<8x128xf32, #tpu.memory_space<vmem>>, vector<1x16xf32>,
    %get3A_716 = arith.constant 7 : i32
    %get3A_717 = arith.index_cast %get3A_716 : i32 to index
    %get3A_718 = arith.constant 16 : index
    %get3A_719 = tpu.vector_load %arg10[%get3A_717, %get3A_718] {strides = array<i32>} : memref<8x128xi32, #tpu.memory_space<vmem>>, vector<1x16xi32>,
    %get3A_720 = vector.shape_cast %get3A_719 : vector<1x16xi32> to vector<16xi32>
    %convert_element_type3A_721 = arith.sitofp %get3A_720 : vector<16xi32> to vector<16xf32>
    %swap3A_722 = arith.constant 7 : i32
    %swap3A_723 = arith.index_cast %swap3A_722 : i32 to index
    %swap3A_724 = arith.constant 16 : index
    %swap3A_725 = tpu.vector_load %arg11[%swap3A_723, %swap3A_724] {strides = array<i32>} : memref<8x128xf32, #tpu.memory_space<vmem>>, vector<1x16xf32>,
    %swap3A_726 = vector.shape_cast %swap3A_725 : vector<1x16xf32> to vector<16xf32>
    %swap3A_727 = vector.shape_cast %convert_element_type3A_721 : vector<16xf32> to vector<1x16xf32>
    tpu.vector_store %arg11[%swap3A_723, %swap3A_724], %swap3A_727 {strides = array<i32>} : memref<8x128xf32, #tpu.memory_space<vmem>>, vector<1x16xf32>,
    %get3A_728 = arith.constant 7 : i32
    %get3A_729 = arith.index_cast %get3A_728 : i32 to index
    %get3A_730 = arith.constant 32 : index
    %get3A_731 = tpu.vector_load %arg10[%get3A_729, %get3A_730] {strides = array<i32>} : memref<8x128xi32, #tpu.memory_space<vmem>>, vector<1x16xi32>,
    %get3A_732 = vector.shape_cast %get3A_731 : vector<1x16xi32> to vector<16xi32>
    %convert_element_type3A_733 = arith.sitofp %get3A_732 : vector<16xi32> to vector<16xf32>
    %swap3A_734 = arith.constant 7 : i32
    %swap3A_735 = arith.index_cast %swap3A_734 : i32 to index
    %swap3A_736 = arith.constant 32 : index
    %swap3A_737 = tpu.vector_load %arg11[%swap3A_735, %swap3A_736] {strides = array<i32>} : memref<8x128xf32, #tpu.memory_space<vmem>>, vector<1x16xf32>,
    %swap3A_738 = vector.shape_cast %swap3A_737 : vector<1x16xf32> to vector<16xf32>
    %swap3A_739 = vector.shape_cast %convert_element_type3A_733 : vector<16xf32> to vector<1x16xf32>
    tpu.vector_store %arg11[%swap3A_735, %swap3A_736], %swap3A_739 {strides = array<i32>} : memref<8x128xf32, #tpu.memory_space<vmem>>, vector<1x16xf32>,
    %get3A_740 = arith.constant 7 : i32
    %get3A_741 = arith.index_cast %get3A_740 : i32 to index
    %get3A_742 = arith.constant 48 : index
    %get3A_743 = tpu.vector_load %arg10[%get3A_741, %get3A_742] {strides = array<i32>} : memref<8x128xi32, #tpu.memory_space<vmem>>, vector<1x16xi32>,
    %get3A_744 = vector.shape_cast %get3A_743 : vector<1x16xi32> to vector<16xi32>
    %convert_element_type3A_745 = arith.sitofp %get3A_744 : vector<16xi32> to vector<16xf32>
    %swap3A_746 = arith.constant 7 : i32
    %swap3A_747 = arith.index_cast %swap3A_746 : i32 to index
    %swap3A_748 = arith.constant 48 : index
    %swap3A_749 = tpu.vector_load %arg11[%swap3A_747, %swap3A_748] {strides = array<i32>} : memref<8x128xf32, #tpu.memory_space<vmem>>, vector<1x16xf32>,
    %swap3A_750 = vector.shape_cast %swap3A_749 : vector<1x16xf32> to vector<16xf32>
    %swap3A_751 = vector.shape_cast %convert_element_type3A_745 : vector<16xf32> to vector<1x16xf32>
    tpu.vector_store %arg11[%swap3A_747, %swap3A_748], %swap3A_751 {strides = array<i32>} : memref<8x128xf32, #tpu.memory_space<vmem>>, vector<1x16xf32>,
    %get3A_752 = arith.constant 7 : i32
    %get3A_753 = arith.index_cast %get3A_752 : i32 to index
    %get3A_754 = arith.constant 64 : index
    %get3A_755 = tpu.vector_load %arg10[%get3A_753, %get3A_754] {strides = array<i32>} : memref<8x128xi32, #tpu.memory_space<vmem>>, vector<1x16xi32>,
    %get3A_756 = vector.shape_cast %get3A_755 : vector<1x16xi32> to vector<16xi32>
    %convert_element_type3A_757 = arith.sitofp %get3A_756 : vector<16xi32> to vector<16xf32>
    %swap3A_758 = arith.constant 7 : i32
    %swap3A_759 = arith.index_cast %swap3A_758 : i32 to index
    %swap3A_760 = arith.constant 64 : index
    %swap3A_761 = tpu.vector_load %arg11[%swap3A_759, %swap3A_760] {strides = array<i32>} : memref<8x128xf32, #tpu.memory_space<vmem>>, vector<1x16xf32>,
    %swap3A_762 = vector.shape_cast %swap3A_761 : vector<1x16xf32> to vector<16xf32>
    %swap3A_763 = vector.shape_cast %convert_element_type3A_757 : vector<16xf32> to vector<1x16xf32>
    tpu.vector_store %arg11[%swap3A_759, %swap3A_760], %swap3A_763 {strides = array<i32>} : memref<8x128xf32, #tpu.memory_space<vmem>>, vector<1x16xf32>,
    %get3A_764 = arith.constant 7 : i32
    %get3A_765 = arith.index_cast %get3A_764 : i32 to index
    %get3A_766 = arith.constant 80 : index
    %get3A_767 = tpu.vector_load %arg10[%get3A_765, %get3A_766] {strides = array<i32>} : memref<8x128xi32, #tpu.memory_space<vmem>>, vector<1x16xi32>,
    %get3A_768 = vector.shape_cast %get3A_767 : vector<1x16xi32> to vector<16xi32>
    %convert_element_type3A_769 = arith.sitofp %get3A_768 : vector<16xi32> to vector<16xf32>
    %swap3A_770 = arith.constant 7 : i32
    %swap3A_771 = arith.index_cast %swap3A_770 : i32 to index
    %swap3A_772 = arith.constant 80 : index
    %swap3A_773 = tpu.vector_load %arg11[%swap3A_771, %swap3A_772] {strides = array<i32>} : memref<8x128xf32, #tpu.memory_space<vmem>>, vector<1x16xf32>,
    %swap3A_774 = vector.shape_cast %swap3A_773 : vector<1x16xf32> to vector<16xf32>
    %swap3A_775 = vector.shape_cast %convert_element_type3A_769 : vector<16xf32> to vector<1x16xf32>
    tpu.vector_store %arg11[%swap3A_771, %swap3A_772], %swap3A_775 {strides = array<i32>} : memref<8x128xf32, #tpu.memory_space<vmem>>, vector<1x16xf32>,
    %get3A_776 = arith.constant 7 : i32
    %get3A_777 = arith.index_cast %get3A_776 : i32 to index
    %get3A_778 = arith.constant 96 : index
    %get3A_779 = tpu.vector_load %arg10[%get3A_777, %get3A_778] {strides = array<i32>} : memref<8x128xi32, #tpu.memory_space<vmem>>, vector<1x16xi32>,
    %get3A_780 = vector.shape_cast %get3A_779 : vector<1x16xi32> to vector<16xi32>
    %convert_element_type3A_781 = arith.sitofp %get3A_780 : vector<16xi32> to vector<16xf32>
    %swap3A_782 = arith.constant 7 : i32
    %swap3A_783 = arith.index_cast %swap3A_782 : i32 to index
    %swap3A_784 = arith.constant 96 : index
    %swap3A_785 = tpu.vector_load %arg11[%swap3A_783, %swap3A_784] {strides = array<i32>} : memref<8x128xf32, #tpu.memory_space<vmem>>, vector<1x16xf32>,
    %swap3A_786 = vector.shape_cast %swap3A_785 : vector<1x16xf32> to vector<16xf32>
    %swap3A_787 = vector.shape_cast %convert_element_type3A_781 : vector<16xf32> to vector<1x16xf32>
    tpu.vector_store %arg11[%swap3A_783, %swap3A_784], %swap3A_787 {strides = array<i32>} : memref<8x128xf32, #tpu.memory_space<vmem>>, vector<1x16xf32>,
    %get3A_788 = arith.constant 7 : i32
    %get3A_789 = arith.index_cast %get3A_788 : i32 to index
    %get3A_790 = arith.constant 112 : index
    %get3A_791 = tpu.vector_load %arg10[%get3A_789, %get3A_790] {strides = array<i32>} : memref<8x128xi32, #tpu.memory_space<vmem>>, vector<1x16xi32>,
    %get3A_792 = vector.shape_cast %get3A_791 : vector<1x16xi32> to vector<16xi32>
    %convert_element_type3A_793 = arith.sitofp %get3A_792 : vector<16xi32> to vector<16xf32>
    %swap3A_794 = arith.constant 7 : i32
    %swap3A_795 = arith.index_cast %swap3A_794 : i32 to index
    %swap3A_796 = arith.constant 112 : index
    %swap3A_797 = tpu.vector_load %arg11[%swap3A_795, %swap3A_796] {strides = array<i32>} : memref<8x128xf32, #tpu.memory_space<vmem>>, vector<1x16xf32>,
    %swap3A_798 = vector.shape_cast %swap3A_797 : vector<1x16xf32> to vector<16xf32>
    %swap3A_799 = vector.shape_cast %convert_element_type3A_793 : vector<16xf32> to vector<1x16xf32>
    tpu.vector_store %arg11[%swap3A_795, %swap3A_796], %swap3A_799 {strides = array<i32>} : memref<8x128xf32, #tpu.memory_space<vmem>>, vector<1x16xf32>,
    %broadcast_in_dim3A = arith.constant 0.000000e+00 : f32
    %broadcast_in_dim3A_800 = vector.broadcast %broadcast_in_dim3A : f32 to vector<16xf32>
    %swap3A_801 = arith.constant 0 : index
    %swap3A_802 = tpu.vector_load %arg12[%swap3A_801] {strides = array<i32>} : memref<16xf32, #tpu.memory_space<vmem>>, vector<16xf32>,
    %swap3A_803 = vector.shape_cast %swap3A_802 : vector<16xf32> to vector<16xf32>
    %swap3A_804 = vector.shape_cast %broadcast_in_dim3A_800 : vector<16xf32> to vector<16xf32>
    tpu.vector_store %arg12[%swap3A_801], %swap3A_804 {strides = array<i32>} : memref<16xf32, #tpu.memory_space<vmem>>, vector<16xf32>,
    %dma_start3A = arith.constant 456 : i32
    %dma_start3A_805 = tpu.memref_slice %arg2[%dma_start3A, %mul3A_32, %mul3A_34] : memref<513x16x2048xf32, #tpu.memory_space<hbm>> -> memref<1x8x128xf32, #tpu.memory_space<hbm>>
    %dma_start3A_806 = tpu.memref_squeeze %dma_start3A_805 : memref<1x8x128xf32, #tpu.memory_space<hbm>> -> memref<8x128xf32, #tpu.memory_space<hbm>>
    %dma_start3A_807 = tpu.memref_slice %arg2[%dma_start3A, %mul3A_32, %mul3A_34] : memref<513x16x2048xf32, #tpu.memory_space<hbm>> -> memref<1x8x128xf32, #tpu.memory_space<hbm>>
    %dma_start3A_808 = tpu.memref_squeeze %dma_start3A_807 : memref<1x8x128xf32, #tpu.memory_space<hbm>> -> memref<8x128xf32, #tpu.memory_space<hbm>>
    tpu.enqueue_dma source(%dma_start3A_808 : memref<8x128xf32, #tpu.memory_space<hbm>>) target(%arg6 : memref<8x128xf32, #tpu.memory_space<vmem>>) target_semaphore(%arg13 : memref<!tpu.dma_semaphore, #tpu.memory_space<semaphore_mem>>)
    %dma_start3A_809 = arith.constant 456 : i32
    %dma_start3A_810 = tpu.memref_slice %arg3[%dma_start3A_809, %mul3A_32, %mul3A_34] : memref<513x16x2048xf32, #tpu.memory_space<hbm>> -> memref<1x8x128xf32, #tpu.memory_space<hbm>>
    %dma_start3A_811 = tpu.memref_squeeze %dma_start3A_810 : memref<1x8x128xf32, #tpu.memory_space<hbm>> -> memref<8x128xf32, #tpu.memory_space<hbm>>
    %dma_start3A_812 = tpu.memref_slice %arg3[%dma_start3A_809, %mul3A_32, %mul3A_34] : memref<513x16x2048xf32, #tpu.memory_space<hbm>> -> memref<1x8x128xf32, #tpu.memory_space<hbm>>
    %dma_start3A_813 = tpu.memref_squeeze %dma_start3A_812 : memref<1x8x128xf32, #tpu.memory_space<hbm>> -> memref<8x128xf32, #tpu.memory_space<hbm>>
    tpu.enqueue_dma source(%dma_start3A_813 : memref<8x128xf32, #tpu.memory_space<hbm>>) target(%arg8 : memref<8x128xf32, #tpu.memory_space<vmem>>) target_semaphore(%arg13 : memref<!tpu.dma_semaphore, #tpu.memory_space<semaphore_mem>>)
    %dma_start3A_814 = arith.constant 457 : i32
    %dma_start3A_815 = tpu.memref_slice %arg2[%dma_start3A_814, %mul3A_32, %mul3A_34] : memref<513x16x2048xf32, #tpu.memory_space<hbm>> -> memref<1x8x128xf32, #tpu.memory_space<hbm>>
    %dma_start3A_816 = tpu.memref_squeeze %dma_start3A_815 : memref<1x8x128xf32, #tpu.memory_space<hbm>> -> memref<8x128xf32, #tpu.memory_space<hbm>>
    %dma_start3A_817 = tpu.memref_slice %arg2[%dma_start3A_814, %mul3A_32, %mul3A_34] : memref<513x16x2048xf32, #tpu.memory_space<hbm>> -> memref<1x8x128xf32, #tpu.memory_space<hbm>>
    %dma_start3A_818 = tpu.memref_squeeze %dma_start3A_817 : memref<1x8x128xf32, #tpu.memory_space<hbm>> -> memref<8x128xf32, #tpu.memory_space<hbm>>
    tpu.enqueue_dma source(%dma_start3A_818 : memref<8x128xf32, #tpu.memory_space<hbm>>) target(%arg7 : memref<8x128xf32, #tpu.memory_space<vmem>>) target_semaphore(%arg14 : memref<!tpu.dma_semaphore, #tpu.memory_space<semaphore_mem>>)
    %dma_start3A_819 = arith.constant 457 : i32
    %dma_start3A_820 = tpu.memref_slice %arg3[%dma_start3A_819, %mul3A_32, %mul3A_34] : memref<513x16x2048xf32, #tpu.memory_space<hbm>> -> memref<1x8x128xf32, #tpu.memory_space<hbm>>
    %dma_start3A_821 = tpu.memref_squeeze %dma_start3A_820 : memref<1x8x128xf32, #tpu.memory_space<hbm>> -> memref<8x128xf32, #tpu.memory_space<hbm>>
    %dma_start3A_822 = tpu.memref_slice %arg3[%dma_start3A_819, %mul3A_32, %mul3A_34] : memref<513x16x2048xf32, #tpu.memory_space<hbm>> -> memref<1x8x128xf32, #tpu.memory_space<hbm>>
    %dma_start3A_823 = tpu.memref_squeeze %dma_start3A_822 : memref<1x8x128xf32, #tpu.memory_space<hbm>> -> memref<8x128xf32, #tpu.memory_space<hbm>>
    tpu.enqueue_dma source(%dma_start3A_823 : memref<8x128xf32, #tpu.memory_space<hbm>>) target(%arg9 : memref<8x128xf32, #tpu.memory_space<vmem>>) target_semaphore(%arg14 : memref<!tpu.dma_semaphore, #tpu.memory_space<semaphore_mem>>)
    %scan3A = arith.constant 0 : i32
    %scan3A_824 = arith.constant 0 : i32
    %scan3A_825 = arith.constant 29 : i32
    %scan3A_826 = arith.addi %scan3A_824, %scan3A_825 : i32
    %scan3A_827 = arith.constant 1 : i32
    scf.for %scan3A_829 = %scan3A_824 to %scan3A_826 step %scan3A_827  : i32 {
      %mul3A_830 = arith.constant 2 : i32
      %mul3A_831 = arith.muli %mul3A_830, %scan3A_829 : i32
      %add3A_832 = arith.constant 456 : i32
      %add3A_833 = arith.addi %add3A_832, %mul3A_831 : i32
      %dma_wait3A = tpu.memref_slice %arg2[%add3A_833, %mul3A_32, %mul3A_34] : memref<513x16x2048xf32, #tpu.memory_space<hbm>> -> memref<1x8x128xf32, #tpu.memory_space<hbm>>
      %dma_wait3A_834 = tpu.memref_squeeze %dma_wait3A : memref<1x8x128xf32, #tpu.memory_space<hbm>> -> memref<8x128xf32, #tpu.memory_space<hbm>>
      %dma_wait3A_835 = tpu.memref_slice %arg2[%add3A_833, %mul3A_32, %mul3A_34] : memref<513x16x2048xf32, #tpu.memory_space<hbm>> -> memref<1x8x128xf32, #tpu.memory_space<hbm>>
      %dma_wait3A_836 = tpu.memref_squeeze %dma_wait3A_835 : memref<1x8x128xf32, #tpu.memory_space<hbm>> -> memref<8x128xf32, #tpu.memory_space<hbm>>
      tpu.wait_dma2 semaphore(%arg13 : memref<!tpu.dma_semaphore, #tpu.memory_space<semaphore_mem>>) src(%dma_wait3A_836 : memref<8x128xf32, #tpu.memory_space<hbm>>) dst(%arg6 : memref<8x128xf32, #tpu.memory_space<vmem>>)
      %add3A_837 = arith.constant 456 : i32
      %add3A_838 = arith.addi %add3A_837, %mul3A_831 : i32
      %dma_wait3A_839 = tpu.memref_slice %arg3[%add3A_838, %mul3A_32, %mul3A_34] : memref<513x16x2048xf32, #tpu.memory_space<hbm>> -> memref<1x8x128xf32, #tpu.memory_space<hbm>>
      %dma_wait3A_840 = tpu.memref_squeeze %dma_wait3A_839 : memref<1x8x128xf32, #tpu.memory_space<hbm>> -> memref<8x128xf32, #tpu.memory_space<hbm>>
      %dma_wait3A_841 = tpu.memref_slice %arg3[%add3A_838, %mul3A_32, %mul3A_34] : memref<513x16x2048xf32, #tpu.memory_space<hbm>> -> memref<1x8x128xf32, #tpu.memory_space<hbm>>
      %dma_wait3A_842 = tpu.memref_squeeze %dma_wait3A_841 : memref<1x8x128xf32, #tpu.memory_space<hbm>> -> memref<8x128xf32, #tpu.memory_space<hbm>>
      tpu.wait_dma2 semaphore(%arg13 : memref<!tpu.dma_semaphore, #tpu.memory_space<semaphore_mem>>) src(%dma_wait3A_842 : memref<8x128xf32, #tpu.memory_space<hbm>>) dst(%arg8 : memref<8x128xf32, #tpu.memory_space<vmem>>)
      %broadcast_in_dim3A_843 = arith.constant 0.000000e+00 : f32
      %broadcast_in_dim3A_844 = vector.broadcast %broadcast_in_dim3A_843 : f32 to vector<16xf32>
      %scan3A_845 = arith.constant 0 : i32
      %scan3A_846 = arith.constant 8 : i32
      %scan3A_847 = arith.addi %scan3A_845, %scan3A_846 : i32
      %scan3A_848 = arith.constant 1 : i32
      %scan3A_849 = scf.for %scan3A_872 = %scan3A_845 to %scan3A_847 step %scan3A_848 iter_args(%scan3A_873 = %broadcast_in_dim3A_844) -> (vector<16xf32>)  : i32 {
        %scan3A_874 = arith.constant 0 : i32
        %scan3A_875 = arith.constant 8 : i32
        %scan3A_876 = arith.addi %scan3A_874, %scan3A_875 : i32
        %scan3A_877 = arith.constant 1 : i32
        %scan3A_878 = scf.for %scan3A_880 = %scan3A_874 to %scan3A_876 step %scan3A_877 iter_args(%scan3A_881 = %scan3A_873) -> (vector<16xf32>)  : i32 {
          %mul3A_882 = arith.constant 16 : i32
          %mul3A_883 = arith.muli %scan3A_880, %mul3A_882 : i32
          %get3A_884 = arith.index_cast %scan3A_872 : i32 to index
          %get3A_885 = arith.index_cast %mul3A_883 : i32 to index
          %get3A_886 = tpu.vector_load %arg6[%get3A_884, %get3A_885] {strides = array<i32>} : memref<8x128xf32, #tpu.memory_space<vmem>>, vector<1x16xf32>,
          %get3A_887 = vector.shape_cast %get3A_886 : vector<1x16xf32> to vector<16xf32>
          %get3A_888 = arith.index_cast %scan3A_872 : i32 to index
          %get3A_889 = arith.index_cast %mul3A_883 : i32 to index
          %get3A_890 = tpu.vector_load %arg8[%get3A_888, %get3A_889] {strides = array<i32>} : memref<8x128xf32, #tpu.memory_space<vmem>>, vector<1x16xf32>,
          %get3A_891 = vector.shape_cast %get3A_890 : vector<1x16xf32> to vector<16xf32>
          %get3A_892 = arith.index_cast %scan3A_872 : i32 to index
          %get3A_893 = arith.index_cast %mul3A_883 : i32 to index
          %get3A_894 = tpu.vector_load %arg11[%get3A_892, %get3A_893] {strides = array<i32>} : memref<8x128xf32, #tpu.memory_space<vmem>>, vector<1x16xf32>,
          %get3A_895 = vector.shape_cast %get3A_894 : vector<1x16xf32> to vector<16xf32>
          %add3A_896 = arith.constant 1.000000e-10 : f32
          %add3A_897 = vector.broadcast %add3A_896 : f32 to vector<16xf32>
          %add3A_898 = arith.addf %get3A_891, %add3A_897 : vector<16xf32>
          %bitcast_convert_type3A = tpu.bitcast %add3A_898 : vector<16xf32> -> vector<16xi32>
          %shift_right_arithmetic3A = arith.constant 23 : i32
          %shift_right_arithmetic3A_899 = vector.broadcast %shift_right_arithmetic3A : i32 to vector<16xi32>
          %shift_right_arithmetic3A_900 = arith.shrsi %bitcast_convert_type3A, %shift_right_arithmetic3A_899 : vector<16xi32>
          %sub3A_901 = arith.constant 127 : i32
          %sub3A_902 = vector.broadcast %sub3A_901 : i32 to vector<16xi32>
          %sub3A_903 = arith.subi %shift_right_arithmetic3A_900, %sub3A_902 : vector<16xi32>
          %convert_element_type3A_904 = arith.sitofp %sub3A_903 : vector<16xi32> to vector<16xf32>
          %and3A_905 = arith.constant 8388607 : i32
          %and3A_906 = vector.broadcast %and3A_905 : i32 to vector<16xi32>
          %and3A_907 = arith.andi %bitcast_convert_type3A, %and3A_906 : vector<16xi32>
          %or3A = arith.constant 1065353216 : i32
          %or3A_908 = vector.broadcast %or3A : i32 to vector<16xi32>
          %or3A_909 = arith.ori %and3A_907, %or3A_908 : vector<16xi32>
          %bitcast_convert_type3A_910 = tpu.bitcast %or3A_909 : vector<16xi32> -> vector<16xf32>
          %sub3A_911 = arith.constant 1.000000e+00 : f32
          %sub3A_912 = vector.broadcast %sub3A_911 : f32 to vector<16xf32>
          %sub3A_913 = arith.subf %bitcast_convert_type3A_910, %sub3A_912 : vector<16xf32>
          %mul3A_914 = arith.constant 0.00375262415 : f32
          %mul3A_915 = vector.broadcast %mul3A_914 : f32 to vector<16xf32>
          %mul3A_916 = arith.mulf %mul3A_915, %sub3A_913 : vector<16xf32>
          %add3A_917 = arith.constant -0.0230382793 : f32
          %add3A_918 = vector.broadcast %add3A_917 : f32 to vector<16xf32>
          %add3A_919 = arith.addf %mul3A_916, %add3A_918 : vector<16xf32>
          %mul3A_920 = arith.mulf %add3A_919, %sub3A_913 : vector<16xf32>
          %add3A_921 = arith.constant 0.0665124804 : f32
          %add3A_922 = vector.broadcast %add3A_921 : f32 to vector<16xf32>
          %add3A_923 = arith.addf %mul3A_920, %add3A_922 : vector<16xf32>
          %mul3A_924 = arith.mulf %add3A_923, %sub3A_913 : vector<16xf32>
          %add3A_925 = arith.constant -0.125266612 : f32
          %add3A_926 = vector.broadcast %add3A_925 : f32 to vector<16xf32>
          %add3A_927 = arith.addf %mul3A_924, %add3A_926 : vector<16xf32>
          %mul3A_928 = arith.mulf %add3A_927, %sub3A_913 : vector<16xf32>
          %add3A_929 = arith.constant 0.184688479 : f32
          %add3A_930 = vector.broadcast %add3A_929 : f32 to vector<16xf32>
          %add3A_931 = arith.addf %mul3A_928, %add3A_930 : vector<16xf32>
          %mul3A_932 = arith.mulf %add3A_931, %sub3A_913 : vector<16xf32>
          %add3A_933 = arith.constant -0.246356606 : f32
          %add3A_934 = vector.broadcast %add3A_933 : f32 to vector<16xf32>
          %add3A_935 = arith.addf %mul3A_932, %add3A_934 : vector<16xf32>
          %mul3A_936 = arith.mulf %add3A_935, %sub3A_913 : vector<16xf32>
          %add3A_937 = arith.constant 0.332818419 : f32
          %add3A_938 = vector.broadcast %add3A_937 : f32 to vector<16xf32>
          %add3A_939 = arith.addf %mul3A_936, %add3A_938 : vector<16xf32>
          %mul3A_940 = arith.mulf %add3A_939, %sub3A_913 : vector<16xf32>
          %add3A_941 = arith.constant -0.49996224 : f32
          %add3A_942 = vector.broadcast %add3A_941 : f32 to vector<16xf32>
          %add3A_943 = arith.addf %mul3A_940, %add3A_942 : vector<16xf32>
          %mul3A_944 = arith.mulf %add3A_943, %sub3A_913 : vector<16xf32>
          %add3A_945 = arith.constant 0.999998927 : f32
          %add3A_946 = vector.broadcast %add3A_945 : f32 to vector<16xf32>
          %add3A_947 = arith.addf %mul3A_944, %add3A_946 : vector<16xf32>
          %mul3A_948 = arith.mulf %add3A_947, %sub3A_913 : vector<16xf32>
          %add3A_949 = arith.constant 5.23940358E-9 : f32
          %add3A_950 = vector.broadcast %add3A_949 : f32 to vector<16xf32>
          %add3A_951 = arith.addf %mul3A_948, %add3A_950 : vector<16xf32>
          %mul3A_952 = arith.constant 0.693147182 : f32
          %mul3A_953 = vector.broadcast %mul3A_952 : f32 to vector<16xf32>
          %mul3A_954 = arith.mulf %convert_element_type3A_904, %mul3A_953 : vector<16xf32>
          %add3A_955 = arith.addf %mul3A_954, %add3A_951 : vector<16xf32>
          %sub3A_956 = arith.subf %get3A_887, %add3A_955 : vector<16xf32>
          %abs3A = math.absf %sub3A_956 : vector<16xf32>
          %mul3A_957 = arith.mulf %abs3A, %get3A_895 : vector<16xf32>
          %add3A_958 = arith.addf %scan3A_881, %mul3A_957 : vector<16xf32>
          scf.yield %add3A_958 : vector<16xf32>
        }
        %scan3A_879 = arith.constant 8 : i32
        scf.yield %scan3A_878 : vector<16xf32>
      }
      %scan3A_850 = arith.constant 8 : i32
      %get3A_851 = arith.constant 0 : index
      %get3A_852 = tpu.vector_load %arg12[%get3A_851] {strides = array<i32>} : memref<16xf32, #tpu.memory_space<vmem>>, vector<16xf32>,
      %get3A_853 = vector.shape_cast %get3A_852 : vector<16xf32> to vector<16xf32>
      %add3A_854 = arith.addf %get3A_853, %scan3A_849 : vector<16xf32>
      %swap3A_855 = arith.constant 0 : index
      %swap3A_856 = tpu.vector_load %arg12[%swap3A_855] {strides = array<i32>} : memref<16xf32, #tpu.memory_space<vmem>>, vector<16xf32>,
      %swap3A_857 = vector.shape_cast %swap3A_856 : vector<16xf32> to vector<16xf32>
      %swap3A_858 = vector.shape_cast %add3A_854 : vector<16xf32> to vector<16xf32>
      tpu.vector_store %arg12[%swap3A_855], %swap3A_858 {strides = array<i32>} : memref<16xf32, #tpu.memory_space<vmem>>, vector<16xf32>,
      %add3A_859 = arith.constant 2 : i32
      %add3A_860 = arith.addi %mul3A_831, %add3A_859 : i32
      %lt3A_861 = arith.constant 57 : i32
      %lt3A_862 = arith.cmpi slt, %add3A_860, %lt3A_861 : i32
      %convert_element_type3A_863 = arith.extui %lt3A_862 : i1 to i32
      %cond3A = arith.constant 0 : i32
      %cond3A_864 = arith.cmpi ne, %convert_element_type3A_863, %cond3A : i32
      scf.if %cond3A_864 {
        %add3A_872 = arith.constant 2 : i32
        %add3A_873 = arith.addi %mul3A_831, %add3A_872 : i32
        %add3A_874 = arith.constant 456 : i32
        %add3A_875 = arith.addi %add3A_874, %add3A_873 : i32
        %dma_start3A_876 = tpu.memref_slice %arg2[%add3A_875, %mul3A_32, %mul3A_34] : memref<513x16x2048xf32, #tpu.memory_space<hbm>> -> memref<1x8x128xf32, #tpu.memory_space<hbm>>
        %dma_start3A_877 = tpu.memref_squeeze %dma_start3A_876 : memref<1x8x128xf32, #tpu.memory_space<hbm>> -> memref<8x128xf32, #tpu.memory_space<hbm>>
        %dma_start3A_878 = tpu.memref_slice %arg2[%add3A_875, %mul3A_32, %mul3A_34] : memref<513x16x2048xf32, #tpu.memory_space<hbm>> -> memref<1x8x128xf32, #tpu.memory_space<hbm>>
        %dma_start3A_879 = tpu.memref_squeeze %dma_start3A_878 : memref<1x8x128xf32, #tpu.memory_space<hbm>> -> memref<8x128xf32, #tpu.memory_space<hbm>>
        tpu.enqueue_dma source(%dma_start3A_879 : memref<8x128xf32, #tpu.memory_space<hbm>>) target(%arg6 : memref<8x128xf32, #tpu.memory_space<vmem>>) target_semaphore(%arg13 : memref<!tpu.dma_semaphore, #tpu.memory_space<semaphore_mem>>)
        %add3A_880 = arith.constant 456 : i32
        %add3A_881 = arith.addi %add3A_880, %add3A_873 : i32
        %dma_start3A_882 = tpu.memref_slice %arg3[%add3A_881, %mul3A_32, %mul3A_34] : memref<513x16x2048xf32, #tpu.memory_space<hbm>> -> memref<1x8x128xf32, #tpu.memory_space<hbm>>
        %dma_start3A_883 = tpu.memref_squeeze %dma_start3A_882 : memref<1x8x128xf32, #tpu.memory_space<hbm>> -> memref<8x128xf32, #tpu.memory_space<hbm>>
        %dma_start3A_884 = tpu.memref_slice %arg3[%add3A_881, %mul3A_32, %mul3A_34] : memref<513x16x2048xf32, #tpu.memory_space<hbm>> -> memref<1x8x128xf32, #tpu.memory_space<hbm>>
        %dma_start3A_885 = tpu.memref_squeeze %dma_start3A_884 : memref<1x8x128xf32, #tpu.memory_space<hbm>> -> memref<8x128xf32, #tpu.memory_space<hbm>>
        tpu.enqueue_dma source(%dma_start3A_885 : memref<8x128xf32, #tpu.memory_space<hbm>>) target(%arg8 : memref<8x128xf32, #tpu.memory_space<vmem>>) target_semaphore(%arg13 : memref<!tpu.dma_semaphore, #tpu.memory_space<semaphore_mem>>)
      } else {
      }
      %add3A_865 = arith.constant 1 : i32
      %add3A_866 = arith.addi %mul3A_831, %add3A_865 : i32
      %lt3A_867 = arith.constant 57 : i32
      %lt3A_868 = arith.cmpi slt, %add3A_866, %lt3A_867 : i32
      %convert_element_type3A_869 = arith.extui %lt3A_868 : i1 to i32
      %cond3A_870 = arith.constant 0 : i32
      %cond3A_871 = arith.cmpi ne, %convert_element_type3A_869, %cond3A_870 : i32
      scf.if %cond3A_871 {
        %add3A_872 = arith.constant 1 : i32
        %add3A_873 = arith.addi %mul3A_831, %add3A_872 : i32
        %add3A_874 = arith.constant 456 : i32
        %add3A_875 = arith.addi %add3A_874, %add3A_873 : i32
        %dma_wait3A_876 = tpu.memref_slice %arg2[%add3A_875, %mul3A_32, %mul3A_34] : memref<513x16x2048xf32, #tpu.memory_space<hbm>> -> memref<1x8x128xf32, #tpu.memory_space<hbm>>
        %dma_wait3A_877 = tpu.memref_squeeze %dma_wait3A_876 : memref<1x8x128xf32, #tpu.memory_space<hbm>> -> memref<8x128xf32, #tpu.memory_space<hbm>>
        %dma_wait3A_878 = tpu.memref_slice %arg2[%add3A_875, %mul3A_32, %mul3A_34] : memref<513x16x2048xf32, #tpu.memory_space<hbm>> -> memref<1x8x128xf32, #tpu.memory_space<hbm>>
        %dma_wait3A_879 = tpu.memref_squeeze %dma_wait3A_878 : memref<1x8x128xf32, #tpu.memory_space<hbm>> -> memref<8x128xf32, #tpu.memory_space<hbm>>
        tpu.wait_dma2 semaphore(%arg14 : memref<!tpu.dma_semaphore, #tpu.memory_space<semaphore_mem>>) src(%dma_wait3A_879 : memref<8x128xf32, #tpu.memory_space<hbm>>) dst(%arg7 : memref<8x128xf32, #tpu.memory_space<vmem>>)
        %add3A_880 = arith.constant 456 : i32
        %add3A_881 = arith.addi %add3A_880, %add3A_873 : i32
        %dma_wait3A_882 = tpu.memref_slice %arg3[%add3A_881, %mul3A_32, %mul3A_34] : memref<513x16x2048xf32, #tpu.memory_space<hbm>> -> memref<1x8x128xf32, #tpu.memory_space<hbm>>
        %dma_wait3A_883 = tpu.memref_squeeze %dma_wait3A_882 : memref<1x8x128xf32, #tpu.memory_space<hbm>> -> memref<8x128xf32, #tpu.memory_space<hbm>>
        %dma_wait3A_884 = tpu.memref_slice %arg3[%add3A_881, %mul3A_32, %mul3A_34] : memref<513x16x2048xf32, #tpu.memory_space<hbm>> -> memref<1x8x128xf32, #tpu.memory_space<hbm>>
        %dma_wait3A_885 = tpu.memref_squeeze %dma_wait3A_884 : memref<1x8x128xf32, #tpu.memory_space<hbm>> -> memref<8x128xf32, #tpu.memory_space<hbm>>
        tpu.wait_dma2 semaphore(%arg14 : memref<!tpu.dma_semaphore, #tpu.memory_space<semaphore_mem>>) src(%dma_wait3A_885 : memref<8x128xf32, #tpu.memory_space<hbm>>) dst(%arg9 : memref<8x128xf32, #tpu.memory_space<vmem>>)
        %broadcast_in_dim3A_886 = arith.constant 0.000000e+00 : f32
        %broadcast_in_dim3A_887 = vector.broadcast %broadcast_in_dim3A_886 : f32 to vector<16xf32>
        %scan3A_888 = arith.constant 0 : i32
        %scan3A_889 = arith.constant 8 : i32
        %scan3A_890 = arith.addi %scan3A_888, %scan3A_889 : i32
        %scan3A_891 = arith.constant 1 : i32
        %scan3A_892 = scf.for %scan3A_909 = %scan3A_888 to %scan3A_890 step %scan3A_891 iter_args(%scan3A_910 = %broadcast_in_dim3A_887) -> (vector<16xf32>)  : i32 {
          %scan3A_911 = arith.constant 0 : i32
          %scan3A_912 = arith.constant 8 : i32
          %scan3A_913 = arith.addi %scan3A_911, %scan3A_912 : i32
          %scan3A_914 = arith.constant 1 : i32
          %scan3A_915 = scf.for %scan3A_917 = %scan3A_911 to %scan3A_913 step %scan3A_914 iter_args(%scan3A_918 = %scan3A_910) -> (vector<16xf32>)  : i32 {
            %mul3A_919 = arith.constant 16 : i32
            %mul3A_920 = arith.muli %scan3A_917, %mul3A_919 : i32
            %get3A_921 = arith.index_cast %scan3A_909 : i32 to index
            %get3A_922 = arith.index_cast %mul3A_920 : i32 to index
            %get3A_923 = tpu.vector_load %arg7[%get3A_921, %get3A_922] {strides = array<i32>} : memref<8x128xf32, #tpu.memory_space<vmem>>, vector<1x16xf32>,
            %get3A_924 = vector.shape_cast %get3A_923 : vector<1x16xf32> to vector<16xf32>
            %get3A_925 = arith.index_cast %scan3A_909 : i32 to index
            %get3A_926 = arith.index_cast %mul3A_920 : i32 to index
            %get3A_927 = tpu.vector_load %arg9[%get3A_925, %get3A_926] {strides = array<i32>} : memref<8x128xf32, #tpu.memory_space<vmem>>, vector<1x16xf32>,
            %get3A_928 = vector.shape_cast %get3A_927 : vector<1x16xf32> to vector<16xf32>
            %get3A_929 = arith.index_cast %scan3A_909 : i32 to index
            %get3A_930 = arith.index_cast %mul3A_920 : i32 to index
            %get3A_931 = tpu.vector_load %arg11[%get3A_929, %get3A_930] {strides = array<i32>} : memref<8x128xf32, #tpu.memory_space<vmem>>, vector<1x16xf32>,
            %get3A_932 = vector.shape_cast %get3A_931 : vector<1x16xf32> to vector<16xf32>
            %add3A_933 = arith.constant 1.000000e-10 : f32
            %add3A_934 = vector.broadcast %add3A_933 : f32 to vector<16xf32>
            %add3A_935 = arith.addf %get3A_928, %add3A_934 : vector<16xf32>
            %bitcast_convert_type3A = tpu.bitcast %add3A_935 : vector<16xf32> -> vector<16xi32>
            %shift_right_arithmetic3A = arith.constant 23 : i32
            %shift_right_arithmetic3A_936 = vector.broadcast %shift_right_arithmetic3A : i32 to vector<16xi32>
            %shift_right_arithmetic3A_937 = arith.shrsi %bitcast_convert_type3A, %shift_right_arithmetic3A_936 : vector<16xi32>
            %sub3A_938 = arith.constant 127 : i32
            %sub3A_939 = vector.broadcast %sub3A_938 : i32 to vector<16xi32>
            %sub3A_940 = arith.subi %shift_right_arithmetic3A_937, %sub3A_939 : vector<16xi32>
            %convert_element_type3A_941 = arith.sitofp %sub3A_940 : vector<16xi32> to vector<16xf32>
            %and3A_942 = arith.constant 8388607 : i32
            %and3A_943 = vector.broadcast %and3A_942 : i32 to vector<16xi32>
            %and3A_944 = arith.andi %bitcast_convert_type3A, %and3A_943 : vector<16xi32>
            %or3A = arith.constant 1065353216 : i32
            %or3A_945 = vector.broadcast %or3A : i32 to vector<16xi32>
            %or3A_946 = arith.ori %and3A_944, %or3A_945 : vector<16xi32>
            %bitcast_convert_type3A_947 = tpu.bitcast %or3A_946 : vector<16xi32> -> vector<16xf32>
            %sub3A_948 = arith.constant 1.000000e+00 : f32
            %sub3A_949 = vector.broadcast %sub3A_948 : f32 to vector<16xf32>
            %sub3A_950 = arith.subf %bitcast_convert_type3A_947, %sub3A_949 : vector<16xf32>
            %mul3A_951 = arith.constant 0.00375262415 : f32
            %mul3A_952 = vector.broadcast %mul3A_951 : f32 to vector<16xf32>
            %mul3A_953 = arith.mulf %mul3A_952, %sub3A_950 : vector<16xf32>
            %add3A_954 = arith.constant -0.0230382793 : f32
            %add3A_955 = vector.broadcast %add3A_954 : f32 to vector<16xf32>
            %add3A_956 = arith.addf %mul3A_953, %add3A_955 : vector<16xf32>
            %mul3A_957 = arith.mulf %add3A_956, %sub3A_950 : vector<16xf32>
            %add3A_958 = arith.constant 0.0665124804 : f32
            %add3A_959 = vector.broadcast %add3A_958 : f32 to vector<16xf32>
            %add3A_960 = arith.addf %mul3A_957, %add3A_959 : vector<16xf32>
            %mul3A_961 = arith.mulf %add3A_960, %sub3A_950 : vector<16xf32>
            %add3A_962 = arith.constant -0.125266612 : f32
            %add3A_963 = vector.broadcast %add3A_962 : f32 to vector<16xf32>
            %add3A_964 = arith.addf %mul3A_961, %add3A_963 : vector<16xf32>
            %mul3A_965 = arith.mulf %add3A_964, %sub3A_950 : vector<16xf32>
            %add3A_966 = arith.constant 0.184688479 : f32
            %add3A_967 = vector.broadcast %add3A_966 : f32 to vector<16xf32>
            %add3A_968 = arith.addf %mul3A_965, %add3A_967 : vector<16xf32>
            %mul3A_969 = arith.mulf %add3A_968, %sub3A_950 : vector<16xf32>
            %add3A_970 = arith.constant -0.246356606 : f32
            %add3A_971 = vector.broadcast %add3A_970 : f32 to vector<16xf32>
            %add3A_972 = arith.addf %mul3A_969, %add3A_971 : vector<16xf32>
            %mul3A_973 = arith.mulf %add3A_972, %sub3A_950 : vector<16xf32>
            %add3A_974 = arith.constant 0.332818419 : f32
            %add3A_975 = vector.broadcast %add3A_974 : f32 to vector<16xf32>
            %add3A_976 = arith.addf %mul3A_973, %add3A_975 : vector<16xf32>
            %mul3A_977 = arith.mulf %add3A_976, %sub3A_950 : vector<16xf32>
            %add3A_978 = arith.constant -0.49996224 : f32
            %add3A_979 = vector.broadcast %add3A_978 : f32 to vector<16xf32>
            %add3A_980 = arith.addf %mul3A_977, %add3A_979 : vector<16xf32>
            %mul3A_981 = arith.mulf %add3A_980, %sub3A_950 : vector<16xf32>
            %add3A_982 = arith.constant 0.999998927 : f32
            %add3A_983 = vector.broadcast %add3A_982 : f32 to vector<16xf32>
            %add3A_984 = arith.addf %mul3A_981, %add3A_983 : vector<16xf32>
            %mul3A_985 = arith.mulf %add3A_984, %sub3A_950 : vector<16xf32>
            %add3A_986 = arith.constant 5.23940358E-9 : f32
            %add3A_987 = vector.broadcast %add3A_986 : f32 to vector<16xf32>
            %add3A_988 = arith.addf %mul3A_985, %add3A_987 : vector<16xf32>
            %mul3A_989 = arith.constant 0.693147182 : f32
            %mul3A_990 = vector.broadcast %mul3A_989 : f32 to vector<16xf32>
            %mul3A_991 = arith.mulf %convert_element_type3A_941, %mul3A_990 : vector<16xf32>
            %add3A_992 = arith.addf %mul3A_991, %add3A_988 : vector<16xf32>
            %sub3A_993 = arith.subf %get3A_924, %add3A_992 : vector<16xf32>
            %abs3A = math.absf %sub3A_993 : vector<16xf32>
            %mul3A_994 = arith.mulf %abs3A, %get3A_932 : vector<16xf32>
            %add3A_995 = arith.addf %scan3A_918, %mul3A_994 : vector<16xf32>
            scf.yield %add3A_995 : vector<16xf32>
          }
          %scan3A_916 = arith.constant 8 : i32
          scf.yield %scan3A_915 : vector<16xf32>
        }
        %scan3A_893 = arith.constant 8 : i32
        %get3A_894 = arith.constant 0 : index
        %get3A_895 = tpu.vector_load %arg12[%get3A_894] {strides = array<i32>} : memref<16xf32, #tpu.memory_space<vmem>>, vector<16xf32>,
        %get3A_896 = vector.shape_cast %get3A_895 : vector<16xf32> to vector<16xf32>
        %add3A_897 = arith.addf %get3A_896, %scan3A_892 : vector<16xf32>
        %swap3A_898 = arith.constant 0 : index
        %swap3A_899 = tpu.vector_load %arg12[%swap3A_898] {strides = array<i32>} : memref<16xf32, #tpu.memory_space<vmem>>, vector<16xf32>,
        %swap3A_900 = vector.shape_cast %swap3A_899 : vector<16xf32> to vector<16xf32>
        %swap3A_901 = vector.shape_cast %add3A_897 : vector<16xf32> to vector<16xf32>
        tpu.vector_store %arg12[%swap3A_898], %swap3A_901 {strides = array<i32>} : memref<16xf32, #tpu.memory_space<vmem>>, vector<16xf32>,
        %add3A_902 = arith.constant 3 : i32
        %add3A_903 = arith.addi %mul3A_831, %add3A_902 : i32
        %lt3A_904 = arith.constant 57 : i32
        %lt3A_905 = arith.cmpi slt, %add3A_903, %lt3A_904 : i32
        %convert_element_type3A_906 = arith.extui %lt3A_905 : i1 to i32
        %cond3A_907 = arith.constant 0 : i32
        %cond3A_908 = arith.cmpi ne, %convert_element_type3A_906, %cond3A_907 : i32
        scf.if %cond3A_908 {
          %add3A_909 = arith.constant 3 : i32
          %add3A_910 = arith.addi %mul3A_831, %add3A_909 : i32
          %add3A_911 = arith.constant 456 : i32
          %add3A_912 = arith.addi %add3A_911, %add3A_910 : i32
          %dma_start3A_913 = tpu.memref_slice %arg2[%add3A_912, %mul3A_32, %mul3A_34] : memref<513x16x2048xf32, #tpu.memory_space<hbm>> -> memref<1x8x128xf32, #tpu.memory_space<hbm>>
          %dma_start3A_914 = tpu.memref_squeeze %dma_start3A_913 : memref<1x8x128xf32, #tpu.memory_space<hbm>> -> memref<8x128xf32, #tpu.memory_space<hbm>>
          %dma_start3A_915 = tpu.memref_slice %arg2[%add3A_912, %mul3A_32, %mul3A_34] : memref<513x16x2048xf32, #tpu.memory_space<hbm>> -> memref<1x8x128xf32, #tpu.memory_space<hbm>>
          %dma_start3A_916 = tpu.memref_squeeze %dma_start3A_915 : memref<1x8x128xf32, #tpu.memory_space<hbm>> -> memref<8x128xf32, #tpu.memory_space<hbm>>
          tpu.enqueue_dma source(%dma_start3A_916 : memref<8x128xf32, #tpu.memory_space<hbm>>) target(%arg7 : memref<8x128xf32, #tpu.memory_space<vmem>>) target_semaphore(%arg14 : memref<!tpu.dma_semaphore, #tpu.memory_space<semaphore_mem>>)
          %add3A_917 = arith.constant 456 : i32
          %add3A_918 = arith.addi %add3A_917, %add3A_910 : i32
          %dma_start3A_919 = tpu.memref_slice %arg3[%add3A_918, %mul3A_32, %mul3A_34] : memref<513x16x2048xf32, #tpu.memory_space<hbm>> -> memref<1x8x128xf32, #tpu.memory_space<hbm>>
          %dma_start3A_920 = tpu.memref_squeeze %dma_start3A_919 : memref<1x8x128xf32, #tpu.memory_space<hbm>> -> memref<8x128xf32, #tpu.memory_space<hbm>>
          %dma_start3A_921 = tpu.memref_slice %arg3[%add3A_918, %mul3A_32, %mul3A_34] : memref<513x16x2048xf32, #tpu.memory_space<hbm>> -> memref<1x8x128xf32, #tpu.memory_space<hbm>>
          %dma_start3A_922 = tpu.memref_squeeze %dma_start3A_921 : memref<1x8x128xf32, #tpu.memory_space<hbm>> -> memref<8x128xf32, #tpu.memory_space<hbm>>
          tpu.enqueue_dma source(%dma_start3A_922 : memref<8x128xf32, #tpu.memory_space<hbm>>) target(%arg9 : memref<8x128xf32, #tpu.memory_space<vmem>>) target_semaphore(%arg14 : memref<!tpu.dma_semaphore, #tpu.memory_space<semaphore_mem>>)
        } else {
        }
      } else {
      }
    }
    %scan3A_828 = arith.constant 29 : i32
    "tpu.region"() ({
      %run_scoped3A = tpu.sem_alloc : memref<!tpu.dma_semaphore, #tpu.memory_space<semaphore_mem>>
      %dma_start3A_829 = arith.constant 0 : i32
      %dma_start3A_830 = tpu.memref_slice %arg5[%add3A, %dma_start3A_829] : memref<32x16xf32, #tpu.memory_space<hbm>> -> memref<1x16xf32, #tpu.memory_space<hbm>>
      %dma_start3A_831 = tpu.memref_squeeze %dma_start3A_830 : memref<1x16xf32, #tpu.memory_space<hbm>> -> memref<16xf32, #tpu.memory_space<hbm>>
      %dma_start3A_832 = arith.constant 0 : i32
      %dma_start3A_833 = tpu.memref_slice %arg5[%add3A, %dma_start3A_832] : memref<32x16xf32, #tpu.memory_space<hbm>> -> memref<1x16xf32, #tpu.memory_space<hbm>>
      %dma_start3A_834 = tpu.memref_squeeze %dma_start3A_833 : memref<1x16xf32, #tpu.memory_space<hbm>> -> memref<16xf32, #tpu.memory_space<hbm>>
      tpu.enqueue_dma source(%arg12 : memref<16xf32, #tpu.memory_space<vmem>>) target(%dma_start3A_834 : memref<16xf32, #tpu.memory_space<hbm>>) target_semaphore(%run_scoped3A : memref<!tpu.dma_semaphore, #tpu.memory_space<semaphore_mem>>)
      %dma_wait3A = arith.constant 0 : i32
      %dma_wait3A_835 = tpu.memref_slice %arg5[%add3A, %dma_wait3A] : memref<32x16xf32, #tpu.memory_space<hbm>> -> memref<1x16xf32, #tpu.memory_space<hbm>>
      %dma_wait3A_836 = tpu.memref_squeeze %dma_wait3A_835 : memref<1x16xf32, #tpu.memory_space<hbm>> -> memref<16xf32, #tpu.memory_space<hbm>>
      %dma_wait3A_837 = arith.constant 0 : i32
      %dma_wait3A_838 = tpu.memref_slice %arg5[%add3A, %dma_wait3A_837] : memref<32x16xf32, #tpu.memory_space<hbm>> -> memref<1x16xf32, #tpu.memory_space<hbm>>
      %dma_wait3A_839 = tpu.memref_squeeze %dma_wait3A_838 : memref<1x16xf32, #tpu.memory_space<hbm>> -> memref<16xf32, #tpu.memory_space<hbm>>
      tpu.wait_dma2 semaphore(%run_scoped3A : memref<!tpu.dma_semaphore, #tpu.memory_space<semaphore_mem>>) src(%arg12 : memref<16xf32, #tpu.memory_space<vmem>>) dst(%dma_wait3A_839 : memref<16xf32, #tpu.memory_space<hbm>>)
      tpu.yield
    }) : () -> ()
    return
  }
}

module attributes {stable_mosaic.version = 14 : i64} {
  func.func @_tc_body(%arg0: i32, %arg1: memref<57x16x2048xf32, #tpu.memory_space<vmem>>, %arg2: memref<57x16x2048xf32, #tpu.memory_space<vmem>>, %arg3: memref<16x2048xi32, #tpu.memory_space<vmem>>, %arg4: memref<1x2xf32, #tpu.memory_space<vmem>>, %arg5: memref<16x2048xf32, #tpu.memory_space<vmem>>, %arg6: memref<16x2048xf32, #tpu.memory_space<vmem>>) attributes {dimension_semantics = [#tpu.dimension_semantics<arbitrary>], iteration_bounds = array<i64: 8>, scalar_prefetch = 0 : i64, scratch_operands = 2 : i64, tpu.core_type = #tpu.core_type<tc>, window_params = [{transform_indices = @transform_0, window_bounds = array<i64: 57, 16, 2048>}, {transform_indices = @transform_1, window_bounds = array<i64: 57, 16, 2048>}, {pipeline_mode = #tpu.pipeline_mode<synchronous>, transform_indices = @transform_2, window_bounds = array<i64: 16, 2048>}, {pipeline_mode = #tpu.pipeline_mode<synchronous>, transform_indices = @transform_3, window_bounds = array<i64: 1, 2>}]} {
    %eq3A = arith.constant 0 : i32
    %eq3A_0 = arith.cmpi eq, %arg0, %eq3A : i32
    %convert_element_type3A = arith.extui %eq3A_0 : i1 to i32
    %cond3A = arith.constant 0 : i32
    %cond3A_1 = arith.cmpi ne, %convert_element_type3A, %cond3A : i32
    scf.if %cond3A_1 {
      %broadcast_in_dim3A_74 = arith.constant 0.000000e+00 : f32
      %broadcast_in_dim3A_75 = vector.broadcast %broadcast_in_dim3A_74 : f32 to vector<16x2048xf32>
      %swap3A_76 = arith.constant 0 : index
      %swap3A_77 = arith.constant 0 : index
      %swap3A_78 = vector.load %arg5[%swap3A_76, %swap3A_77] : memref<16x2048xf32, #tpu.memory_space<vmem>>, vector<16x2048xf32>
      tpu.vector_store %arg5[%swap3A_76, %swap3A_77], %broadcast_in_dim3A_75 {strides = array<i32>} : memref<16x2048xf32, #tpu.memory_space<vmem>>, vector<16x2048xf32>,
      %get3A_79 = arith.constant 0 : index
      %get3A_80 = arith.constant 0 : index
      %get3A_81 = vector.load %arg3[%get3A_79, %get3A_80] : memref<16x2048xi32, #tpu.memory_space<vmem>>, vector<16x2048xi32>
      %convert_element_type3A_82 = arith.sitofp %get3A_81 : vector<16x2048xi32> to vector<16x2048xf32>
      %swap3A_83 = arith.constant 0 : index
      %swap3A_84 = arith.constant 0 : index
      %swap3A_85 = vector.load %arg6[%swap3A_83, %swap3A_84] : memref<16x2048xf32, #tpu.memory_space<vmem>>, vector<16x2048xf32>
      tpu.vector_store %arg6[%swap3A_83, %swap3A_84], %convert_element_type3A_82 {strides = array<i32>} : memref<16x2048xf32, #tpu.memory_space<vmem>>, vector<16x2048xf32>,
    } else {
    }
    %get3A = arith.constant 0 : index
    %get3A_2 = arith.constant 0 : index
    %get3A_3 = vector.load %arg6[%get3A, %get3A_2] : memref<16x2048xf32, #tpu.memory_space<vmem>>, vector<16x512xf32>
    %broadcast_in_dim3A = arith.constant 0.000000e+00 : f32
    %broadcast_in_dim3A_4 = vector.broadcast %broadcast_in_dim3A : f32 to vector<16x512xf32>
    %scan3A = arith.constant 0 : i32
    %scan3A_5 = arith.constant 57 : i32
    %scan3A_6 = arith.addi %scan3A, %scan3A_5 : i32
    %scan3A_7 = arith.constant 1 : i32
    %scan3A_8 = scf.for %scan3A_74 = %scan3A to %scan3A_6 step %scan3A_7 iter_args(%scan3A_75 = %broadcast_in_dim3A_4) -> (vector<16x512xf32>)  : i32 {
      %get3A_76 = arith.index_cast %scan3A_74 : i32 to index
      %get3A_77 = arith.constant 0 : index
      %get3A_78 = arith.constant 0 : index
      %get3A_79 = vector.load %arg1[%get3A_76, %get3A_77, %get3A_78] : memref<57x16x2048xf32, #tpu.memory_space<vmem>>, vector<1x16x512xf32>
      %get3A_80 = vector.shape_cast %get3A_79 : vector<1x16x512xf32> to vector<16x512xf32>
      %get3A_81 = arith.index_cast %scan3A_74 : i32 to index
      %get3A_82 = arith.constant 0 : index
      %get3A_83 = arith.constant 0 : index
      %get3A_84 = vector.load %arg2[%get3A_81, %get3A_82, %get3A_83] : memref<57x16x2048xf32, #tpu.memory_space<vmem>>, vector<1x16x512xf32>
      %get3A_85 = vector.shape_cast %get3A_84 : vector<1x16x512xf32> to vector<16x512xf32>
      %add3A_86 = arith.constant 1.000000e-10 : f32
      %add3A_87 = vector.broadcast %add3A_86 : f32 to vector<16x512xf32>
      %add3A_88 = arith.addf %get3A_85, %add3A_87 : vector<16x512xf32>
      %log3A = math.log %add3A_88 : vector<16x512xf32>
      %sub3A = arith.subf %get3A_80, %log3A : vector<16x512xf32>
      %abs3A = math.absf %sub3A : vector<16x512xf32>
      %mul3A = arith.mulf %abs3A, %get3A_3 : vector<16x512xf32>
      %add3A_89 = arith.addf %scan3A_75, %mul3A : vector<16x512xf32>
      scf.yield %add3A_89 : vector<16x512xf32>
    }
    %scan3A_9 = arith.constant 57 : i32
    %get3A_10 = arith.constant 0 : index
    %get3A_11 = arith.constant 0 : index
    %get3A_12 = vector.load %arg5[%get3A_10, %get3A_11] : memref<16x2048xf32, #tpu.memory_space<vmem>>, vector<16x512xf32>
    %add3A = arith.addf %get3A_12, %scan3A_8 : vector<16x512xf32>
    %swap3A = arith.constant 0 : index
    %swap3A_13 = arith.constant 0 : index
    %swap3A_14 = vector.load %arg5[%swap3A, %swap3A_13] : memref<16x2048xf32, #tpu.memory_space<vmem>>, vector<16x512xf32>
    tpu.vector_store %arg5[%swap3A, %swap3A_13], %add3A {strides = array<i32>} : memref<16x2048xf32, #tpu.memory_space<vmem>>, vector<16x512xf32>,
    %get3A_15 = arith.constant 0 : index
    %get3A_16 = arith.constant 512 : index
    %get3A_17 = vector.load %arg6[%get3A_15, %get3A_16] : memref<16x2048xf32, #tpu.memory_space<vmem>>, vector<16x512xf32>
    %broadcast_in_dim3A_18 = arith.constant 0.000000e+00 : f32
    %broadcast_in_dim3A_19 = vector.broadcast %broadcast_in_dim3A_18 : f32 to vector<16x512xf32>
    %scan3A_20 = arith.constant 0 : i32
    %scan3A_21 = arith.constant 57 : i32
    %scan3A_22 = arith.addi %scan3A_20, %scan3A_21 : i32
    %scan3A_23 = arith.constant 1 : i32
    %scan3A_24 = scf.for %scan3A_74 = %scan3A_20 to %scan3A_22 step %scan3A_23 iter_args(%scan3A_75 = %broadcast_in_dim3A_19) -> (vector<16x512xf32>)  : i32 {
      %get3A_76 = arith.index_cast %scan3A_74 : i32 to index
      %get3A_77 = arith.constant 0 : index
      %get3A_78 = arith.constant 512 : index
      %get3A_79 = vector.load %arg1[%get3A_76, %get3A_77, %get3A_78] : memref<57x16x2048xf32, #tpu.memory_space<vmem>>, vector<1x16x512xf32>
      %get3A_80 = vector.shape_cast %get3A_79 : vector<1x16x512xf32> to vector<16x512xf32>
      %get3A_81 = arith.index_cast %scan3A_74 : i32 to index
      %get3A_82 = arith.constant 0 : index
      %get3A_83 = arith.constant 512 : index
      %get3A_84 = vector.load %arg2[%get3A_81, %get3A_82, %get3A_83] : memref<57x16x2048xf32, #tpu.memory_space<vmem>>, vector<1x16x512xf32>
      %get3A_85 = vector.shape_cast %get3A_84 : vector<1x16x512xf32> to vector<16x512xf32>
      %add3A_86 = arith.constant 1.000000e-10 : f32
      %add3A_87 = vector.broadcast %add3A_86 : f32 to vector<16x512xf32>
      %add3A_88 = arith.addf %get3A_85, %add3A_87 : vector<16x512xf32>
      %log3A = math.log %add3A_88 : vector<16x512xf32>
      %sub3A = arith.subf %get3A_80, %log3A : vector<16x512xf32>
      %abs3A = math.absf %sub3A : vector<16x512xf32>
      %mul3A = arith.mulf %abs3A, %get3A_17 : vector<16x512xf32>
      %add3A_89 = arith.addf %scan3A_75, %mul3A : vector<16x512xf32>
      scf.yield %add3A_89 : vector<16x512xf32>
    }
    %scan3A_25 = arith.constant 57 : i32
    %get3A_26 = arith.constant 0 : index
    %get3A_27 = arith.constant 512 : index
    %get3A_28 = vector.load %arg5[%get3A_26, %get3A_27] : memref<16x2048xf32, #tpu.memory_space<vmem>>, vector<16x512xf32>
    %add3A_29 = arith.addf %get3A_28, %scan3A_24 : vector<16x512xf32>
    %swap3A_30 = arith.constant 0 : index
    %swap3A_31 = arith.constant 512 : index
    %swap3A_32 = vector.load %arg5[%swap3A_30, %swap3A_31] : memref<16x2048xf32, #tpu.memory_space<vmem>>, vector<16x512xf32>
    tpu.vector_store %arg5[%swap3A_30, %swap3A_31], %add3A_29 {strides = array<i32>} : memref<16x2048xf32, #tpu.memory_space<vmem>>, vector<16x512xf32>,
    %get3A_33 = arith.constant 0 : index
    %get3A_34 = arith.constant 1024 : index
    %get3A_35 = vector.load %arg6[%get3A_33, %get3A_34] : memref<16x2048xf32, #tpu.memory_space<vmem>>, vector<16x512xf32>
    %broadcast_in_dim3A_36 = arith.constant 0.000000e+00 : f32
    %broadcast_in_dim3A_37 = vector.broadcast %broadcast_in_dim3A_36 : f32 to vector<16x512xf32>
    %scan3A_38 = arith.constant 0 : i32
    %scan3A_39 = arith.constant 57 : i32
    %scan3A_40 = arith.addi %scan3A_38, %scan3A_39 : i32
    %scan3A_41 = arith.constant 1 : i32
    %scan3A_42 = scf.for %scan3A_74 = %scan3A_38 to %scan3A_40 step %scan3A_41 iter_args(%scan3A_75 = %broadcast_in_dim3A_37) -> (vector<16x512xf32>)  : i32 {
      %get3A_76 = arith.index_cast %scan3A_74 : i32 to index
      %get3A_77 = arith.constant 0 : index
      %get3A_78 = arith.constant 1024 : index
      %get3A_79 = vector.load %arg1[%get3A_76, %get3A_77, %get3A_78] : memref<57x16x2048xf32, #tpu.memory_space<vmem>>, vector<1x16x512xf32>
      %get3A_80 = vector.shape_cast %get3A_79 : vector<1x16x512xf32> to vector<16x512xf32>
      %get3A_81 = arith.index_cast %scan3A_74 : i32 to index
      %get3A_82 = arith.constant 0 : index
      %get3A_83 = arith.constant 1024 : index
      %get3A_84 = vector.load %arg2[%get3A_81, %get3A_82, %get3A_83] : memref<57x16x2048xf32, #tpu.memory_space<vmem>>, vector<1x16x512xf32>
      %get3A_85 = vector.shape_cast %get3A_84 : vector<1x16x512xf32> to vector<16x512xf32>
      %add3A_86 = arith.constant 1.000000e-10 : f32
      %add3A_87 = vector.broadcast %add3A_86 : f32 to vector<16x512xf32>
      %add3A_88 = arith.addf %get3A_85, %add3A_87 : vector<16x512xf32>
      %log3A = math.log %add3A_88 : vector<16x512xf32>
      %sub3A = arith.subf %get3A_80, %log3A : vector<16x512xf32>
      %abs3A = math.absf %sub3A : vector<16x512xf32>
      %mul3A = arith.mulf %abs3A, %get3A_35 : vector<16x512xf32>
      %add3A_89 = arith.addf %scan3A_75, %mul3A : vector<16x512xf32>
      scf.yield %add3A_89 : vector<16x512xf32>
    }
    %scan3A_43 = arith.constant 57 : i32
    %get3A_44 = arith.constant 0 : index
    %get3A_45 = arith.constant 1024 : index
    %get3A_46 = vector.load %arg5[%get3A_44, %get3A_45] : memref<16x2048xf32, #tpu.memory_space<vmem>>, vector<16x512xf32>
    %add3A_47 = arith.addf %get3A_46, %scan3A_42 : vector<16x512xf32>
    %swap3A_48 = arith.constant 0 : index
    %swap3A_49 = arith.constant 1024 : index
    %swap3A_50 = vector.load %arg5[%swap3A_48, %swap3A_49] : memref<16x2048xf32, #tpu.memory_space<vmem>>, vector<16x512xf32>
    tpu.vector_store %arg5[%swap3A_48, %swap3A_49], %add3A_47 {strides = array<i32>} : memref<16x2048xf32, #tpu.memory_space<vmem>>, vector<16x512xf32>,
    %get3A_51 = arith.constant 0 : index
    %get3A_52 = arith.constant 1536 : index
    %get3A_53 = vector.load %arg6[%get3A_51, %get3A_52] : memref<16x2048xf32, #tpu.memory_space<vmem>>, vector<16x512xf32>
    %broadcast_in_dim3A_54 = arith.constant 0.000000e+00 : f32
    %broadcast_in_dim3A_55 = vector.broadcast %broadcast_in_dim3A_54 : f32 to vector<16x512xf32>
    %scan3A_56 = arith.constant 0 : i32
    %scan3A_57 = arith.constant 57 : i32
    %scan3A_58 = arith.addi %scan3A_56, %scan3A_57 : i32
    %scan3A_59 = arith.constant 1 : i32
    %scan3A_60 = scf.for %scan3A_74 = %scan3A_56 to %scan3A_58 step %scan3A_59 iter_args(%scan3A_75 = %broadcast_in_dim3A_55) -> (vector<16x512xf32>)  : i32 {
      %get3A_76 = arith.index_cast %scan3A_74 : i32 to index
      %get3A_77 = arith.constant 0 : index
      %get3A_78 = arith.constant 1536 : index
      %get3A_79 = vector.load %arg1[%get3A_76, %get3A_77, %get3A_78] : memref<57x16x2048xf32, #tpu.memory_space<vmem>>, vector<1x16x512xf32>
      %get3A_80 = vector.shape_cast %get3A_79 : vector<1x16x512xf32> to vector<16x512xf32>
      %get3A_81 = arith.index_cast %scan3A_74 : i32 to index
      %get3A_82 = arith.constant 0 : index
      %get3A_83 = arith.constant 1536 : index
      %get3A_84 = vector.load %arg2[%get3A_81, %get3A_82, %get3A_83] : memref<57x16x2048xf32, #tpu.memory_space<vmem>>, vector<1x16x512xf32>
      %get3A_85 = vector.shape_cast %get3A_84 : vector<1x16x512xf32> to vector<16x512xf32>
      %add3A_86 = arith.constant 1.000000e-10 : f32
      %add3A_87 = vector.broadcast %add3A_86 : f32 to vector<16x512xf32>
      %add3A_88 = arith.addf %get3A_85, %add3A_87 : vector<16x512xf32>
      %log3A = math.log %add3A_88 : vector<16x512xf32>
      %sub3A = arith.subf %get3A_80, %log3A : vector<16x512xf32>
      %abs3A = math.absf %sub3A : vector<16x512xf32>
      %mul3A = arith.mulf %abs3A, %get3A_53 : vector<16x512xf32>
      %add3A_89 = arith.addf %scan3A_75, %mul3A : vector<16x512xf32>
      scf.yield %add3A_89 : vector<16x512xf32>
    }
    %scan3A_61 = arith.constant 57 : i32
    %get3A_62 = arith.constant 0 : index
    %get3A_63 = arith.constant 1536 : index
    %get3A_64 = vector.load %arg5[%get3A_62, %get3A_63] : memref<16x2048xf32, #tpu.memory_space<vmem>>, vector<16x512xf32>
    %add3A_65 = arith.addf %get3A_64, %scan3A_60 : vector<16x512xf32>
    %swap3A_66 = arith.constant 0 : index
    %swap3A_67 = arith.constant 1536 : index
    %swap3A_68 = vector.load %arg5[%swap3A_66, %swap3A_67] : memref<16x2048xf32, #tpu.memory_space<vmem>>, vector<16x512xf32>
    tpu.vector_store %arg5[%swap3A_66, %swap3A_67], %add3A_65 {strides = array<i32>} : memref<16x2048xf32, #tpu.memory_space<vmem>>, vector<16x512xf32>,
    %eq3A_69 = arith.constant 7 : i32
    %eq3A_70 = arith.cmpi eq, %arg0, %eq3A_69 : i32
    %convert_element_type3A_71 = arith.extui %eq3A_70 : i1 to i32
    %cond3A_72 = arith.constant 0 : i32
    %cond3A_73 = arith.cmpi ne, %convert_element_type3A_71, %cond3A_72 : i32
    scf.if %cond3A_73 {
      %get3A_74 = arith.constant 0 : index
      %get3A_75 = arith.constant 0 : index
      %get3A_76 = vector.load %arg5[%get3A_74, %get3A_75] : memref<16x2048xf32, #tpu.memory_space<vmem>>, vector<16x2048xf32>
      %reduce_sum3A = vector.shape_cast %get3A_76 : vector<16x2048xf32> to vector<1x16x2048xf32>
      %reduce_sum3A_77 = arith.constant dense<0.000000e+00> : vector<1xf32>
      %reduce_sum3A_78 = vector.multi_reduction <add>, %reduce_sum3A, %reduce_sum3A_77 [1, 2] : vector<1x16x2048xf32> to vector<1xf32>
      %reduce_sum3A_79 = vector.shape_cast %reduce_sum3A_78 : vector<1xf32> to vector<1x1x1xf32>
      %reduce_sum3A_80 = vector.extract %reduce_sum3A_79[0, 0, 0] : f32 from vector<1x1x1xf32>
      %reshape3A = vector.broadcast %reduce_sum3A_80 : f32 to vector<1x1xf32>
      %get3A_81 = arith.constant 0 : index
      %get3A_82 = arith.constant 0 : index
      %get3A_83 = vector.load %arg6[%get3A_81, %get3A_82] : memref<16x2048xf32, #tpu.memory_space<vmem>>, vector<16x2048xf32>
      %reduce_sum3A_84 = vector.shape_cast %get3A_83 : vector<16x2048xf32> to vector<1x16x2048xf32>
      %reduce_sum3A_85 = arith.constant dense<0.000000e+00> : vector<1xf32>
      %reduce_sum3A_86 = vector.multi_reduction <add>, %reduce_sum3A_84, %reduce_sum3A_85 [1, 2] : vector<1x16x2048xf32> to vector<1xf32>
      %reduce_sum3A_87 = vector.shape_cast %reduce_sum3A_86 : vector<1xf32> to vector<1x1x1xf32>
      %reduce_sum3A_88 = vector.extract %reduce_sum3A_87[0, 0, 0] : f32 from vector<1x1x1xf32>
      %reshape3A_89 = vector.broadcast %reduce_sum3A_88 : f32 to vector<1x1xf32>
      %concatenate3A = tpu.concatenate %reshape3A, %reshape3A_89 in 1 : vector<1x1xf32>, vector<1x1xf32> -> vector<1x2xf32>
      %swap3A_90 = arith.constant 0 : index
      %swap3A_91 = arith.constant 0 : index
      %swap3A_92 = vector.load %arg4[%swap3A_90, %swap3A_91] : memref<1x2xf32, #tpu.memory_space<vmem>>, vector<1x2xf32>
      tpu.vector_store %arg4[%swap3A_90, %swap3A_91], %concatenate3A {strides = array<i32>} : memref<1x2xf32, #tpu.memory_space<vmem>>, vector<1x2xf32>,
    } else {
    }
    return
  }
  func.func @transform_0(%arg0: i32) -> (i32, i32, i32) {
    %c0_i32 = arith.constant 0 : i32
    %c0_i32_0 = arith.constant 0 : i32
    %c0_i32_1 = arith.constant 0 : i32
    return %arg0, %c0_i32, %c0_i32_0 : i32, i32, i32
  }
  func.func @transform_1(%arg0: i32) -> (i32, i32, i32) {
    %c0_i32 = arith.constant 0 : i32
    %c0_i32_0 = arith.constant 0 : i32
    %c0_i32_1 = arith.constant 0 : i32
    return %arg0, %c0_i32, %c0_i32_0 : i32, i32, i32
  }
  func.func @transform_2(%arg0: i32) -> (i32, i32) {
    %c0_i32 = arith.constant 0 : i32
    %c0_i32_0 = arith.constant 0 : i32
    %c0_i32_1 = arith.constant 0 : i32
    return %c0_i32, %c0_i32_0 : i32, i32
  }
  func.func @transform_3(%arg0: i32) -> (i32, i32) {
    %c0_i32 = arith.constant 0 : i32
    %c0_i32_0 = arith.constant 0 : i32
    %c0_i32_1 = arith.constant 0 : i32
    return %c0_i32, %c0_i32_0 : i32, i32
  }
}

</mosaic_0001>

<sc_bundles>
// kernel: kernel.4.cloned.1.call-start
scs
__scs_entry_jumppad:
0x0: {  	(pc) =	sbr.rel $0x88, $3  }
0x1: {  	(tag) =	ssettag $0x0;
	lr =	simm.s32 $0x1  }
0x2: {  	[smem:$0x3F9E] =	sst lr;
	_ =	strace $0xD0000000  }
0x3: {  	_ = 	snop  }
0x4: {  	_ = 	snop  }
0x5: {  	_ = 	snop  }
0x6: {  	_ = 	snop  }
0x7: {  	_ = 	snop  }
__scs_overlays_trampoline_lowered:
0x8: {  	[smem:$0x3FAD] =	sst s0  }
0x9: {  	[smem:$0x3FAE] =	sst s1  }
0xa: {  	[smem:$0x3FAF] =	sst s2  }
0xb: {  	[smem:$0x3FB0] =	sst s3  }
0xc: {  	[smem:$0x3FB1] =	sst s4  }
0xd: {  	[smem:$0x3FB2] =	sst s5  }
0xe: {  	[smem:$0x3FB3] =	sst s6  }
0xf: {  	[smem:$0x3FB4] =	sst s7  }
0x10: {  	[smem:$0x3FB5] =	sst s8  }
0x11: {  	[smem:$0x3FB6] =	sst s9;
	s0 =	simm.s32 @!p0 $0x0  }
0x12: {  	s1 =	sld [smem:$0x3F9C];
	s0 =	simm.s32 @p0 $0x1  }
0x13: {  	[smem:$0x3FB7] =	sst s0;
	s0 =	simm.s32 @!p1 $0x0  }
0x14: {  	s2 =	sld [smem:$0x3F9B];
	s0 =	simm.s32 @p1 $0x1  }
0x15: {  	[smem:$0x3FB8] =	sst s0;
	s0 =	simm.s32 @!p2 $0x0  }
0x16: {  	s3 =	sld [smem:$0x3FDB];
	s0 =	simm.s32 @p2 $0x1  }
0x17: {  	s4 =	simm.s32 $0x1BF5;
	[smem:$0x3FBA] =	sst s0  }
0x18: {  	s0 =	sld [smem:$0x3F9D];
	_ =	swait.ge [sflag:s4], $0x0  }
0x19: {  	s7 =	sld [smem:$0x3F9E]  }
0x1a: {  	s8 =	sadd.s32 $0xFFFFE003, lr  }
0x1b: {  	s9 =	sadd.s32 $0xFFFFFEF7, lr;
	s5 =	simm.s32 $0xFFFFFFFF;
	p2 =	slt.u32 s8, $0xFFFFF086  }
0x1c: {  	p1 =	slt.u32 s9, $0xF7A;
	s5 =	simm.s32 @!p2 $0x0  }
0x1d: {  	s5 =	simm.s32 @p1 $0x1;
	p0 =	seq.s32 s7, s2  }
0x1e: {  	s7 =	smul.u32 @!p0 $0xF7A, s2;
	p2 =	seq.s32 @!p0 s5, $0x0  }
0x1f: {  	s9 =	smul.u32 $0xF7A, s1;
	s8 =	simm.s32 @!p0 $0x1BF5;
	p2 =	por !p2, p0  }
0x20: {  	[sflag:s8] =	ssyncset.s32 @!p0 $0xFFFFF086;
	s6 =	sadd.s32 @!p0 s3, s7;
	s7 =	simm.s32 @!p0 $0x108  }
0x21: {  	s3 =	sadd.s32 s3, s9;
	s6 =	sadd.s32 @!p0 $0x88, s6;
	s7 =	simm.s32 @p2 $0x1082  }
0x22: {  	[simem:s7], [sflag:s8] =	dma.local @!p0 [hbm:s6], $0xF7A  }
0x23: {  	s9 =	sor.u32 $0xD0000000, s2;
	s6 =	simm.s32 $0x108;
	_ =	swait.ge @!p0 [sflag:s8], $0x0  }
0x24: {  	s3 =	sadd.s32 $0x88, s3;
	s6 =	simm.s32 @!p1 $0x1082;
	[sflag:s4] =	ssyncset.s32 $0xFFFFF086  }
0x25: {  	[simem:s6], [sflag:s4] =	dma.local [hbm:s3], $0xF7A  }
0x26: {  	[smem:$0x3F9E] =	sst s1;
	(tag) =	ssettag s2;
	_ =	strace s9  }
0x27: {  	s1 =	sld [smem:$0x3FAE]  }
0x28: {  	s2 =	sld [smem:$0x3FAF]  }
0x29: {  	s4 =	sld [smem:$0x3FB1]  }
0x2a: {  	p0 =	seq.s32 s5, $0x0;
	s5 =	sld [smem:$0x3FB2]  }
0x2b: {  	s6 =	sld [smem:$0x3FB3]  }
0x2c: {  	s7 =	sld [smem:$0x3FB4]  }
0x2d: {  	s3 =	simm.s32 $0x108;
	s8 =	sld [smem:$0x3FB5]  }
0x2e: {  	s3 =	simm.s32 @!p0 $0x1082;
	s9 =	sld [smem:$0x3FB6]  }
0x2f: {  	lr =	sadd.s32 s0, s3;
	s0 =	sld [smem:$0x3FAD]  }
0x30: {  	s3 =	sld [smem:$0x3FB0]  }
0x31: {  	[smem:$0x3FB9] =	sst s10  }
0x32: {  	s10 =	sld [smem:$0x3FB7];
	_ =	sdelay $0x3  }
0x33: {  	p0 =	seq.s32 s10, $0x1;
	s10 =	sld [smem:$0x3FB9];
	_ =	sdelay $0x3  }
0x34: {  	[smem:$0x3FB9] =	sst s10  }
0x35: {  	s10 =	sld [smem:$0x3FB8];
	_ =	sdelay $0x3  }
0x36: {  	p1 =	seq.s32 s10, $0x1;
	s10 =	sld [smem:$0x3FB9];
	_ =	sdelay $0x3  }
0x37: {  	[smem:$0x3FB9] =	sst s10  }
0x38: {  	s10 =	sld [smem:$0x3FBA]  }
0x39: {  	_ = 	snop;
	(pc) =	sbr.ind lr, $3  }
0x3a: {  	_ = 	snop  }
0x3b: {  	_ = 	snop  }
0x3c: {  	p2 =	seq.s32 s10, $0x1;
	s10 =	sld [smem:$0x3FB9]  }
0x3d: {  	_ =	shalt  }
0x3e: {  	_ =	shalt  }
0x3f: {  	_ =	shalt  }
0x40: {  	_ =	shalt  }
0x41: {  	_ =	shalt  }
0x42: {  	_ =	shalt  }
0x43: {  	_ =	shalt  }
0x44: {  	_ =	shalt  }
0x45: {  	_ =	shalt  }
0x46: {  	_ =	shalt  }
0x47: {  	_ =	shalt  }
0x48: {  	_ =	shalt  }
0x49: {  	_ =	shalt  }
0x4a: {  	_ =	shalt  }
0x4b: {  	_ =	shalt  }
0x4c: {  	_ =	shalt  }
0x4d: {  	_ =	shalt  }
0x4e: {  	_ =	shalt  }
0x4f: {  	_ =	shalt  }
0x50: {  	_ =	shalt  }
0x51: {  	_ =	shalt  }
0x52: {  	_ =	shalt  }
0x53: {  	_ =	shalt  }
0x54: {  	_ =	shalt  }
0x55: {  	_ =	shalt  }
0x56: {  	_ =	shalt  }
0x57: {  	_ =	shalt  }
0x58: {  	_ =	shalt  }
0x59: {  	_ =	shalt  }
0x5a: {  	_ =	shalt  }
0x5b: {  	_ =	shalt  }
0x5c: {  	_ =	shalt  }
0x5d: {  	_ =	shalt  }
0x5e: {  	_ =	shalt  }
0x5f: {  	_ =	shalt  }
0x60: {  	_ =	shalt  }
0x61: {  	_ =	shalt  }
0x62: {  	_ =	shalt  }
0x63: {  	_ =	shalt  }
0x64: {  	_ =	shalt  }
0x65: {  	_ =	shalt  }
0x66: {  	_ =	shalt  }
0x67: {  	_ =	shalt  }
0x68: {  	_ =	shalt  }
0x69: {  	_ =	shalt  }
0x6a: {  	_ =	shalt  }
0x6b: {  	_ =	shalt  }
0x6c: {  	_ =	shalt  }
0x6d: {  	_ =	shalt  }
0x6e: {  	_ =	shalt  }
0x6f: {  	_ =	shalt  }
0x70: {  	_ =	shalt  }
0x71: {  	_ =	shalt  }
0x72: {  	_ =	shalt  }
0x73: {  	_ =	shalt  }
0x74: {  	_ =	shalt  }
0x75: {  	_ =	shalt  }
0x76: {  	_ =	shalt  }
0x77: {  	_ =	shalt  }
0x78: {  	_ =	shalt  }
0x79: {  	_ =	shalt  }
0x7a: {  	_ =	shalt  }
0x7b: {  	_ =	shalt  }
0x7c: {  	_ =	shalt  }
0x7d: {  	_ =	shalt  }
0x7e: {  	_ =	shalt  }
0x7f: {  	_ =	shalt  }
0x80: {  	_ =	shalt  }
0x81: {  	_ =	shalt  }
0x82: {  	_ =	shalt  }
0x83: {  	_ =	shalt  }
0x84: {  	_ =	shalt  }
0x85: {  	_ =	shalt  }
0x86: {  	_ =	shalt  }
0x87: {  	_ =	shalt  }
.Lfunc_end0:
.L_simem_size_0:
called_computation_lowered:
.L_overlay_start_0:
0x88: {  	s2 =	sld [smem:$0x3FD9]  }
0x89: {  	s3 =	sld [smem:$0x3FFE];
	_ =	sdelay $0x1  }
0x8a: {  	s1 =	srdreg.scid  }
0x8b: {  	s0 =	sand.u32 $0x1, s1  }
0x8c: {  	s17 =	sshll.u32 s0, $0xA;
	s2 =	sadd.s32 s3, s2  }
0x8d: {  	s2 =	sadd.s32 s2, s17  }
0x8e: {  	[smem:$0x3FC5] =	sst s2  }
0x8f: {  	_ = 	snop  }
0x90: {  	s2 =	sld [smem:$0x3FC9]  }
0x91: {  	s18 =	sld [smem:$0x3FC8]  }
0x92: {  	s4 =	sld [smem:$0x3FC7];
	(tm) =	ssettm $0x1  }
0x93: {  	s5 =	sld [smem:$0x3FFB];
	_ =	sdelay $0x3  }
0x94: {  	_ =	strace s5  }
0x95: {  	s5 =	sld [smem:$0x3FFC];
	_ =	sdelay $0x3  }
0x96: {  	_ =	strace s5  }
0x97: {  	s5 =	sld [smem:$0x3FFD];
	_ =	sdelay $0x3  }
0x98: {  	_ =	strace s5  }
0x99: {  	_ =	strace $0x8FFFFFFF  }
0x9a: {  	s19 =	sld [smem:$0x3FDB];
	_ =	sdelay $0x1  }
0x9b: {  	s6 =	simm.s32 $_scs_section_size  }
0x9c: {  	s7 =	simm.s32 $_size__tile_overlayer_lowered;
	s8 =	simm.s32 $_tile_overlayer_lowered  }
0x9d: {  	s22 =	simm.s32 $0x1BFF;
	s21 =	sshll.u32 s8, $0x1;
	s5 =	sadd.s32 s6, s19  }
0x9e: {  	s9 =	simm.s32 $0x0;
	s20 =	sshll.u32 s7, $0x1;
	s7 =	sadd.s32 s21, s5  }
0x9f: {  	[timem:s9], [sflag:s22] =	dma.local [hbm:s7], s20  }
0xa0: {  	_ =	swait.ge [sflag:s22], s20  }
0xa1: {  	s6 =	ssub.s32 $0x0, s20;
	[sflag:s22] =	ssyncset.done $0x0  }
0xa2: {  	[sflag:s22] =	ssyncadd.s32 s6;
	_ =	sdelay $0x1  }
0xa3: {  	s23 =	simm.s32 $0x1B8B  }
0xa4: {  	_ =	swait.ge [sflag:s23], $0x1  }
0xa5: {  	[sflag:s23] =	ssyncset.done $0x0  }
0xa6: {  	s25 =	simm.s32 $0x1B8E;
	s24 =	sld [smem:$0x3FFE];
	[sflag:s23] =	ssyncadd.s32 $0xFFFFFFFF  }
0xa7: {  	s26 =	simm.s32 $execute0_lowered;
	[smem:$0x3FD2] =	sst s25  }
0xa8: {  	s7 =	sshll.u32 s26, $0x1;
	_ =	strace $0x80000046;
	[dreg:$0x1] =	wrdreg $0xFFFFFFFF  }
0xa9: {  	s28 =	simm.s32 $_size_execute0_lowered;
	s5 =	sadd.s32 s5, s7;
	[dreg:$0x0] =	wrdreg $0x0  }
0xaa: {  	s7 =	sshll.u32 s28, $0x1;
	[dreg:$0x2] =	wrdreg s5  }
0xab: {  	[dreg:$0x3] =	wrdreg s7  }
0xac: {  	[dreg:$0x4] =	wrdreg $0xC0  }
0xad: {  	_ =	task [dreg:s9], $0x5FFFF  }
0xae: {  	[dreg:$0x1] =	wrdreg $0xFFFFFFFF  }
0xaf: {  	[dreg:$0x0] =	wrdreg $0x60  }
0xb0: {  	[dreg:$0x2] =	wrdreg s2  }
0xb1: {  	[dreg:$0x3] =	wrdreg s18  }
0xb2: {  	[dreg:$0x4] =	wrdreg s4  }
0xb3: {  	[dreg:$0x5] =	wrdreg s24  }
0xb4: {  	[dreg:$0x6] =	wrdreg $0x9  }
0xb5: {  	_ =	task.clear_ibuf [dreg:s9], $0x7FFFF;
	_ =	strace $0x90000046  }
0xb6: {  	s29 =	simm.s32 $0x9;
	_ =	strace $0x80000048  }
0xb7: {  	_ =	swait.ge [sflag:s29], $0x1  }
0xb8: {  	[sflag:s29] =	ssyncadd.s32 $0xFFFFFFFF  }
0xb9: {  	_ =	strace $0x90000048  }
0xba: {  	_ =	sfence  }
0xbb: {  	s30 =	sld [smem:$0x0];
	_ =	sdelay $0x2  }
0xbc: {  	s31 =	sshll.u32 s1, $0xD;
	s1 =	sshrl.u32 s1, $0x2  }
0xbd: {  	s3 =	sand.u32 $0x4000, s31;
	s1 =	sadd.s32 s1, s30  }
0xbe: {  	s0 =	sor.u32 s3, s0;
	s1 =	sshll.u32 s1, $0x11  }
0xbf: {  	s0 =	sor.u32 s1, s0  }
0xc0: {  	s0 =	sadd.s32 $0x8F2B, s0  }
0xc1: {  	[sflag:s0] =	ssyncadd.remote.s32 $0x1  }
0xc2: {  	_ =	sfence.sel $0xFFFF  }
0xc3: {  	[dreg:$0x0] =	wrdreg $0xFFFFFFFF;
	(pc) =	sbr.abs _section_cstart, $3  }
0xc4: {  	[dreg:$0x1] =	wrdreg $0xFFFFFFFF  }
0xc5: {  	_ =	task.clear_ibuf [dreg:s9], $0x2FFFF;
	_ =	strace $0x9FFFFFFF  }
0xc6: {  	(tm) =	ssettm $0x7FFFFFFF  }
0xc7: {  	_ =	shalt  }
tec
execute0_lowered:
.L_overlay_start_1:
0x0: {  	(tag) =	ssettag $0x1  }
0x1: {  	s1 =	rddreg [dreg:$0x0]  }
0x2: {  	s2 =	rddreg [dreg:$0x1]  }
0x3: {  	s0 =	rddreg [dreg:$0x2];
	s3 =	srdreg.scid  }
0x4: {  	s7 =	stileid.u32;
	s5 =	rddreg [dreg:$0x3]  }
0x5: {  	s4 =	simm.s32 $0x0;
	s15 =	simm.s32 $0x3;
	s16 =	simm.s32 $0x800  }
0x6: {  	s18 =	simm.s32 $0xC00;
	s19 =	simm.s32 $0x1;
	s20 =	simm.s32 $0x1800  }
0x7: {  	s21 =	simm.s32 $0x2;
	s22 =	simm.s32 $0x0;
	s3 =	sand.u32 $0x1, s3  }
0x8: {  	s6 =	sshll.u32 s7, $0x1;
	[smem:$0x7FF] =	sst s4;
	s7 =	sshll.u32 s7, $0xB  }
0x9: {  	s6 =	sor.u32 s3, s6;
	_ =	strace $0x80000047;
	s7 =	sand.u32 $0x4000, s7  }
0xa: {  	s3 =	ssub.s32 $0x2, s3;
	s8 =	sshll.u32 s6, $0xA;
	s6 =	sshll.u32 s6, $0x4  }
0xb: {  	s29 =	sshrl.u32 s3, $0x1;
	s8 =	sand.u32 $0x3C00, s8;
	s12 =	sadd.s32 s6, s5  }
.Ltmp0:
0xc: {  	s3 =	ssub.s32 s3, s29;
	s11 =	sor.u32 s7, s8;
	(pc) =	sbr.rel .LBB2_1-.Ltmp0, $4  }
0xd: {  	s12 =	sadd.s32 $0x400, s12;
	s13 =	smax.u32 s3, $0x1;
	s8 =	sshrl.u32 s11, $0x3  }
0xe: {  	s10 =	sor.u32 $0xE50000, s11;
	s11 =	sor.u32 $0xE58000, s11;
	s30 =	sor.u32 $0x1C8000, s8  }
0xf: {  	s5 =	sadd.s32 s0, s8;
	s31 =	sor.u32 $0x1C9000, s8;
	s6 =	sadd.s32 s1, s30  }
0x10: {  	v0 =	vimm.f32 $0.0e+00;
	s7 =	sadd.s32 s2, s30;
	s8 =	sadd.s32 s1, s31;
	s9 =	sadd.s32 s2, s31  }
.LBB2_12:
0x11: {  	s22 =	sadd.s32 $0x1, s22  }
0x12: {  	p0 =	sne.s32 s22, s13  }
.Ltmp1:
0x13: {  	_ = 	snop;
	(pc) =	sbr.rel @!p0 .LBB2_13-.Ltmp1, $4  }
0x14: {  	[hbm4b:s12+s4] =	stream.linear.scatter [tilespmem:s20], [sflag:$0x3], $0x80, $0x38;
	[tilespmem:$0x1880] =	vst v63  }
0x15: {  	_ =	swait.ge [sflag:s15], $0x80  }
0x16: {  	[sflag:s15] =	ssyncset.done $0x0  }
0x17: {  	[sflag:s15] =	ssyncadd.s32 $0xFFFFFF80  }
.LBB2_1:
0x18: {  	s0 =	simm.s32 $0x1000  }
0x19: {  	[tilespmem:s0], [sflag:$0x3] =	stream.linear.gather [hbm4b:s5+s4], $0x400, $0x38;
	[tilespmem:$0x1880] =	vst v63  }
0x1a: {  	_ =	swait.ge [sflag:s15], $0x400  }
0x1b: {  	[sflag:s15] =	ssyncset.done $0x0  }
0x1c: {  	[sflag:s15] =	ssyncadd.s32 $0xFFFFFC00  }
0x1d: {  	v1 =	vld [tilespmem:$0x1000]  }
0x1e: {  	v2 =	vld [tilespmem:$0x1010]  }
0x1f: {  	v3 =	vld [tilespmem:$0x1020]  }
0x20: {  	v4 =	vld [tilespmem:$0x1030]  }
0x21: {  	v5 =	vld [tilespmem:$0x1040]  }
0x22: {  	v6 =	vld [tilespmem:$0x1050];
	v1 =	vcvt.s32.f32 v1  }
0x23: {  	v7 =	vld [tilespmem:$0x1060];
	[tilespmem:$0x1800] =	vst v0;
	v2 =	vcvt.s32.f32 v2  }
0x24: {  	[tilespmem:$0x1400] =	vst v1;
	v1 =	vcvt.s32.f32 v3;
	v3 =	vld [tilespmem:$0x1070]  }
0x25: {  	v19 =	vld [tilespmem:$0x1080];
	[tilespmem:$0x1410] =	vst v2;
	v2 =	vcvt.s32.f32 v4  }
0x26: {  	v20 =	vld [tilespmem:$0x1090];
	[tilespmem:$0x1420] =	vst v1;
	v1 =	vcvt.s32.f32 v5  }
0x27: {  	v21 =	vld [tilespmem:$0x10A0];
	[tilespmem:$0x1430] =	vst v2;
	v2 =	vcvt.s32.f32 v6  }
0x28: {  	v22 =	vld [tilespmem:$0x10B0];
	[tilespmem:$0x1440] =	vst v1;
	v1 =	vcvt.s32.f32 v7  }
0x29: {  	[tilespmem:$0x1450] =	vst v2;
	v2 =	vcvt.s32.f32 v3;
	v3 =	vld [tilespmem:$0x10C0]  }
0x2a: {  	v23 =	vld [tilespmem:$0x10D0];
	[tilespmem:$0x1460] =	vst v1;
	v1 =	vcvt.s32.f32 v19  }
0x2b: {  	v24 =	vld [tilespmem:$0x10E0];
	[tilespmem:$0x1470] =	vst v2;
	v2 =	vcvt.s32.f32 v20  }
0x2c: {  	v25 =	vld [tilespmem:$0x10F0];
	[tilespmem:$0x1480] =	vst v1;
	v1 =	vcvt.s32.f32 v21  }
0x2d: {  	v26 =	vld [tilespmem:$0x1100];
	[tilespmem:$0x1490] =	vst v2;
	v2 =	vcvt.s32.f32 v22  }
0x2e: {  	[tilespmem:$0x14A0] =	vst v1;
	v1 =	vcvt.s32.f32 v3;
	v3 =	vld [tilespmem:$0x1110]  }
0x2f: {  	v27 =	vld [tilespmem:$0x1120];
	[tilespmem:$0x14B0] =	vst v2;
	v2 =	vcvt.s32.f32 v23  }
0x30: {  	v28 =	vld [tilespmem:$0x1130];
	[tilespmem:$0x14C0] =	vst v1;
	v1 =	vcvt.s32.f32 v24  }
0x31: {  	v29 =	vld [tilespmem:$0x1140];
	[tilespmem:$0x14D0] =	vst v2;
	v2 =	vcvt.s32.f32 v25  }
0x32: {  	v30 =	vld [tilespmem:$0x1150];
	[tilespmem:$0x14E0] =	vst v1;
	v1 =	vcvt.s32.f32 v26  }
0x33: {  	[tilespmem:$0x14F0] =	vst v2;
	v2 =	vcvt.s32.f32 v3;
	v3 =	vld [tilespmem:$0x1160]  }
0x34: {  	v31 =	vld [tilespmem:$0x1170];
	[tilespmem:$0x1500] =	vst v1;
	v1 =	vcvt.s32.f32 v27  }
0x35: {  	v32 =	vld [tilespmem:$0x1180];
	[tilespmem:$0x1510] =	vst v2;
	v2 =	vcvt.s32.f32 v28  }
0x36: {  	v33 =	vld [tilespmem:$0x1190];
	[tilespmem:$0x1520] =	vst v1;
	v1 =	vcvt.s32.f32 v29  }
0x37: {  	v34 =	vld [tilespmem:$0x11A0];
	[tilespmem:$0x1530] =	vst v2;
	v2 =	vcvt.s32.f32 v30  }
0x38: {  	[tilespmem:$0x1540] =	vst v1;
	v1 =	vcvt.s32.f32 v3;
	v3 =	vld [tilespmem:$0x11B0]  }
0x39: {  	v35 =	vld [tilespmem:$0x11C0];
	[tilespmem:$0x1550] =	vst v2;
	v2 =	vcvt.s32.f32 v31  }
0x3a: {  	v36 =	vld [tilespmem:$0x11D0];
	[tilespmem:$0x1560] =	vst v1;
	v1 =	vcvt.s32.f32 v32  }
0x3b: {  	v37 =	vld [tilespmem:$0x11E0];
	[tilespmem:$0x1570] =	vst v2;
	v2 =	vcvt.s32.f32 v33  }
0x3c: {  	v38 =	vld [tilespmem:$0x11F0];
	[tilespmem:$0x1580] =	vst v1;
	v1 =	vcvt.s32.f32 v34  }
0x3d: {  	[tilespmem:$0x1590] =	vst v2;
	v2 =	vcvt.s32.f32 v3;
	v3 =	vld [tilespmem:$0x1200]  }
0x3e: {  	v39 =	vld [tilespmem:$0x1210];
	[tilespmem:$0x15A0] =	vst v1;
	v1 =	vcvt.s32.f32 v35  }
0x3f: {  	v40 =	vld [tilespmem:$0x1220];
	[tilespmem:$0x15B0] =	vst v2;
	v2 =	vcvt.s32.f32 v36  }
0x40: {  	v41 =	vld [tilespmem:$0x1230];
	[tilespmem:$0x15C0] =	vst v1;
	v1 =	vcvt.s32.f32 v37  }
0x41: {  	v42 =	vld [tilespmem:$0x1240];
	[tilespmem:$0x15D0] =	vst v2;
	v2 =	vcvt.s32.f32 v38  }
0x42: {  	[tilespmem:$0x15E0] =	vst v1;
	v1 =	vcvt.s32.f32 v3;
	v3 =	vld [tilespmem:$0x1250]  }
0x43: {  	v43 =	vld [tilespmem:$0x1260];
	[tilespmem:$0x15F0] =	vst v2;
	v2 =	vcvt.s32.f32 v39  }
0x44: {  	v44 =	vld [tilespmem:$0x1270];
	[tilespmem:$0x1600] =	vst v1;
	v1 =	vcvt.s32.f32 v40  }
0x45: {  	v45 =	vld [tilespmem:$0x1280];
	[tilespmem:$0x1610] =	vst v2;
	v2 =	vcvt.s32.f32 v41  }
0x46: {  	v46 =	vld [tilespmem:$0x1290];
	[tilespmem:$0x1620] =	vst v1;
	v1 =	vcvt.s32.f32 v42  }
0x47: {  	[tilespmem:$0x1630] =	vst v2;
	v2 =	vcvt.s32.f32 v3;
	v3 =	vld [tilespmem:$0x12A0]  }
0x48: {  	v47 =	vld [tilespmem:$0x12B0];
	[tilespmem:$0x1640] =	vst v1;
	v1 =	vcvt.s32.f32 v43  }
0x49: {  	v48 =	vld [tilespmem:$0x12C0];
	[tilespmem:$0x1650] =	vst v2;
	v2 =	vcvt.s32.f32 v44  }
0x4a: {  	v49 =	vld [tilespmem:$0x12D0];
	[tilespmem:$0x1660] =	vst v1;
	v1 =	vcvt.s32.f32 v45  }
0x4b: {  	v50 =	vld [tilespmem:$0x12E0];
	[tilespmem:$0x1670] =	vst v2;
	v2 =	vcvt.s32.f32 v46  }
0x4c: {  	[tilespmem:$0x1680] =	vst v1;
	v1 =	vcvt.s32.f32 v3;
	v3 =	vld [tilespmem:$0x12F0]  }
0x4d: {  	v51 =	vld [tilespmem:$0x1300];
	[tilespmem:$0x1690] =	vst v2;
	v2 =	vcvt.s32.f32 v47  }
0x4e: {  	v52 =	vld [tilespmem:$0x1310];
	[tilespmem:$0x16A0] =	vst v1;
	v1 =	vcvt.s32.f32 v48  }
0x4f: {  	v53 =	vld [tilespmem:$0x1320];
	[tilespmem:$0x16B0] =	vst v2;
	v2 =	vcvt.s32.f32 v49  }
0x50: {  	v54 =	vld [tilespmem:$0x1330];
	[tilespmem:$0x16C0] =	vst v1;
	v1 =	vcvt.s32.f32 v50  }
0x51: {  	[tilespmem:$0x16D0] =	vst v2;
	v2 =	vcvt.s32.f32 v3;
	v3 =	vld [tilespmem:$0x1340]  }
0x52: {  	v55 =	vld [tilespmem:$0x1350];
	[tilespmem:$0x16E0] =	vst v1;
	v1 =	vcvt.s32.f32 v51  }
0x53: {  	v56 =	vld [tilespmem:$0x1360];
	[tilespmem:$0x16F0] =	vst v2;
	v2 =	vcvt.s32.f32 v52  }
0x54: {  	v57 =	vld [tilespmem:$0x1370];
	[tilespmem:$0x1700] =	vst v1;
	v1 =	vcvt.s32.f32 v53  }
0x55: {  	v58 =	vld [tilespmem:$0x1380];
	[tilespmem:$0x1710] =	vst v2;
	v2 =	vcvt.s32.f32 v54  }
0x56: {  	[tilespmem:$0x1720] =	vst v1;
	v1 =	vcvt.s32.f32 v3;
	v3 =	vld [tilespmem:$0x1390]  }
0x57: {  	v59 =	vld [tilespmem:$0x13A0];
	[tilespmem:$0x1730] =	vst v2;
	v2 =	vcvt.s32.f32 v55  }
0x58: {  	v60 =	vld [tilespmem:$0x13B0];
	[tilespmem:$0x1740] =	vst v1;
	v1 =	vcvt.s32.f32 v56  }
0x59: {  	v61 =	vld [tilespmem:$0x13C0];
	[tilespmem:$0x1750] =	vst v2;
	v2 =	vcvt.s32.f32 v57  }
0x5a: {  	v62 =	vld [tilespmem:$0x13D0];
	[tilespmem:$0x1760] =	vst v1;
	v1 =	vcvt.s32.f32 v58  }
0x5b: {  	[tilespmem:$0x1770] =	vst v2;
	v2 =	vcvt.s32.f32 v3;
	v3 =	vld [tilespmem:$0x13E0]  }
0x5c: {  	v63 =	vld [tilespmem:$0x13F0];
	[tilespmem:$0x1780] =	vst v1;
	v1 =	vcvt.s32.f32 v59  }
0x5d: {  	[tilespmem:$0x1790] =	vst v2;
	v2 =	vcvt.s32.f32 v60  }
0x5e: {  	[tilespmem:$0x17A0] =	vst v1;
	v1 =	vcvt.s32.f32 v61  }
0x5f: {  	[tilespmem:$0x17B0] =	vst v2;
	v2 =	vcvt.s32.f32 v62  }
0x60: {  	[tilespmem:$0x17C0] =	vst v1;
	v1 =	vcvt.s32.f32 v3  }
0x61: {  	[tilespmem:$0x17D0] =	vst v2;
	v2 =	vcvt.s32.f32 v63  }
0x62: {  	[tilespmem:$0x17E0] =	vst v1  }
0x63: {  	[tilespmem:$0x17F0] =	vst v2  }
0x64: {  	[tilespmem:s4], [sflag:$0x1] =	stream.linear.gather [hbm4b:s6+s4], $0x400, $0x38;
	[tilespmem:$0x1880] =	vst v63  }
0x65: {  	_ = 	snop  }
0x66: {  	[tilespmem:s16], [sflag:$0x1] =	stream.linear.gather [hbm4b:s7+s4], $0x400, $0x38;
	[tilespmem:$0x1880] =	vst v63  }
0x67: {  	s31 =	simm.s32 $0x400  }
0x68: {  	[tilespmem:s31], [sflag:$0x2] =	stream.linear.gather [hbm4b:s8+s4], $0x400, $0x38;
	[tilespmem:$0x1880] =	vst v63  }
0x69: {  	s23 =	simm.s32 $0x0  }
0x6a: {  	[tilespmem:s18], [sflag:$0x2] =	stream.linear.gather [hbm4b:s9+s4], $0x400, $0x38;
	[tilespmem:$0x1880] =	vst v63  }
.LBB2_2:
0x6b: {  	_ =	swait.ge [sflag:s19], $0x400  }
0x6c: {  	[sflag:s19] =	ssyncset.done $0x0  }
0x6d: {  	[sflag:s19] =	ssyncadd.s32 $0xFFFFFC00  }
0x6e: {  	_ =	swait.ge [sflag:s19], $0x400  }
0x6f: {  	s24 =	simm.s32 $0x0;
	s25 =	simm.s32 $0x1400;
	[sflag:s19] =	ssyncset.done $0x0  }
0x70: {  	v1 =	vimm.f32 $0.0e+00;
	s26 =	simm.s32 $0x800;
	s28 =	simm.s32 $0x0;
	[sflag:s19] =	ssyncadd.s32 $0xFFFFFC00  }
.LBB2_3:
0x71: {  	v8 =	vmov s26;
	_ =	sdelay $0x3  }
0x72: {  	s0 =	simm.s32 $0x0  }
0x73: {  	v2 =	vld.idx.msk [tilespmem:v8+s0+$0x0 ss:$0x1], $0xffff;
	_ =	sdelay $0x4  }
0x74: {  	v7 =	vadd.f32 $1.000000010e-10, v2;
	_ =	sdelay $0x1  }
0x75: {  	v2 =	vand.u32 $0x7FFFFF, v7  }
0x76: {  	v2 =	vor.u32 $0x3F800000, v2  }
0x77: {  	v10 =	vadd.f32 $-1.000000000e+00, v2  }
0x78: {  	s29 =	simm.s32 $0x10  }
0x79: {  	v2 =	vld.idx.msk [tilespmem:v8+s29+$0x0 ss:$0x1], $0xffff;
	v3 =	vmul.f32 $3.752624150e-03, v10;
	_ =	sdelay $0x1  }
0x7a: {  	v3 =	vadd.f32 $-2.303827930e-02, v3;
	_ =	sdelay $0x1  }
0x7b: {  	v3 =	vmul.f32 v3, v10  }
0x7c: {  	v11 =	vadd.f32 $1.000000010e-10, v2  }
0x7d: {  	v2 =	vadd.f32 $6.651248040e-02, v3  }
0x7e: {  	v3 =	vand.u32 $0x7FFFFF, v11  }
0x7f: {  	v3 =	vor.u32 $0x3F800000, v3;
	v2 =	vmul.f32 v2, v10  }
0x80: {  	v6 =	vadd.f32 $-1.000000000e+00, v3  }
0x81: {  	s30 =	simm.s32 $0x20;
	v2 =	vadd.f32 $-1.252666120e-01, v2  }
0x82: {  	v3 =	vld.idx.msk [tilespmem:v8+s30+$0x0 ss:$0x1], $0xffff;
	v4 =	vmul.f32 $3.752624150e-03, v6  }
0x83: {  	v2 =	vmul.f32 v2, v10  }
0x84: {  	v4 =	vadd.f32 $-2.303827930e-02, v4  }
0x85: {  	v2 =	vadd.f32 $1.846884790e-01, v2  }
0x86: {  	v4 =	vmul.f32 v4, v6  }
0x87: {  	v5 =	vadd.f32 $1.000000010e-10, v3;
	v2 =	vmul.f32 v2, v10  }
0x88: {  	v3 =	vadd.f32 $6.651248040e-02, v4  }
0x89: {  	v4 =	vand.u32 $0x7FFFFF, v5;
	v2 =	vadd.f32 $-2.463566060e-01, v2  }
0x8a: {  	v4 =	vor.u32 $0x3F800000, v4;
	v3 =	vmul.f32 v3, v6  }
0x8b: {  	v9 =	vadd.f32 $-1.000000000e+00, v4;
	v2 =	vmul.f32 v2, v10  }
0x8c: {  	s31 =	simm.s32 $0x30;
	v3 =	vadd.f32 $-1.252666120e-01, v3  }
0x8d: {  	v4 =	vld.idx.msk [tilespmem:v8+s31+$0x0 ss:$0x1], $0xffff;
	v12 =	vmul.f32 $3.752624150e-03, v9;
	v2 =	vadd.f32 $3.328184190e-01, v2  }
0x8e: {  	v3 =	vmul.f32 v3, v6  }
0x8f: {  	v12 =	vadd.f32 $-2.303827930e-02, v12;
	v2 =	vmul.f32 v2, v10  }
0x90: {  	v13 =	vadd.f32 $1.846884790e-01, v3  }
0x91: {  	v12 =	vmul.f32 v12, v9;
	v14 =	vadd.f32 $-4.999622400e-01, v2  }
0x92: {  	v7 =	vshra.s32 v7, $0x17;
	v4 =	vadd.f32 $1.000000010e-10, v4;
	v13 =	vmul.f32 v13, v6  }
0x93: {  	v3 =	vmov s24;
	v12 =	vadd.f32 $6.651248040e-02, v12;
	v14 =	vmul.f32 v14, v10  }
0x94: {  	s3 =	simm.s32 $0x40;
	v17 =	vadd.s32 $0xFFFFFF81, v7;
	v15 =	vand.u32 $0x7FFFFF, v4;
	v13 =	vadd.f32 $-2.463566060e-01, v13  }
0x95: {  	v16 =	vld.idx.msk [tilespmem:v8+s3+$0x0 ss:$0x1], $0xffff;
	v15 =	vor.u32 $0x3F800000, v15;
	v12 =	vmul.f32 v12, v9;
	v14 =	vadd.f32 $9.999989270e-01, v14  }
0x96: {  	v2 =	vmov s25;
	v7 =	vadd.f32 $-1.000000000e+00, v15;
	v13 =	vmul.f32 v13, v6  }
0x97: {  	v15 =	vcvt.s32.f32 v17;
	v12 =	vadd.f32 $-1.252666120e-01, v12;
	v10 =	vmul.f32 v14, v10  }
0x98: {  	v17 =	vmul.f32 $3.752624150e-03, v7;
	v14 =	vld.idx.msk [tilespmem:v3+s0+$0x0 ss:$0x1], $0xffff;
	v13 =	vadd.f32 $3.328184190e-01, v13  }
0x99: {  	v15 =	vmul.f32 $6.931471820e-01, v15;
	v12 =	vmul.f32 v12, v9;
	v18 =	vadd.f32 $5.239403580e-09, v10  }
0x9a: {  	v10 =	vadd.f32 $1.000000010e-10, v16;
	v16 =	vadd.f32 $-2.303827930e-02, v17;
	v13 =	vmul.f32 v13, v6  }
0x9b: {  	v17 =	vld.idx.msk [tilespmem:v2+s0+$0x0 ss:$0x1], $0xffff;
	v12 =	vadd.f32 $1.846884790e-01, v12;
	v15 =	vadd.f32 v18, v15  }
0x9c: {  	v11 =	vshra.s32 v11, $0x17;
	v16 =	vmul.f32 v16, v7;
	v13 =	vadd.f32 $-4.999622400e-01, v13  }
0x9d: {  	v19 =	vadd.s32 $0xFFFFFF81, v11;
	v12 =	vmul.f32 v12, v9;
	v14 =	vsub.f32 v14, v15  }
0x9e: {  	v18 =	vand.u32 $0x7FFFFF, v10;
	v15 =	vadd.f32 $6.651248040e-02, v16;
	v11 =	vmul.f32 v13, v6  }
0x9f: {  	s0 =	simm.s32 $0x50;
	v13 =	vor.u32 $0x3F800000, v18;
	v18 =	vadd.f32 $-2.463566060e-01, v12;
	v12 =	vand.u32 $0x7FFFFFFF, v14  }
0xa0: {  	v16 =	vmul.f32 v15, v7;
	v14 =	vadd.f32 $9.999989270e-01, v11;
	v15 =	vld.idx.msk [tilespmem:v8+s0+$0x0 ss:$0x1], $0xffff;
	v12 =	vmul.f32 v12, v17  }
0xa1: {  	s14 =	simm.s32 $0x180;
	v11 =	vadd.f32 $-1.000000000e+00, v13;
	v13 =	vcvt.s32.f32 v19;
	v17 =	vmul.f32 v18, v9  }
.LBB2_4:
0xa2: {  	p0 =	sne.s32 s14, $0x1C0;
	v16 =	vadd.f32 $-1.252666120e-01, v16;
	v18 =	vld.idx.msk [tilespmem:v3+s29+$0x0 ss:$0x1], $0xffff;
	v14 =	vmul.f32 v14, v6;
	v1 =	vadd.f32 v12, v1;
	v6 =	vmovc v9  }
0xa3: {  	v9 =	vmovc v7;
	v12 =	vmul.f32 $3.752624150e-03, v11;
	v17 =	vadd.f32 $3.328184190e-01, v17;
	v7 =	vmov v11  }
0xa4: {  	v13 =	vmul.f32 $6.931471820e-01, v13;
	v11 =	vmul.f32 v16, v9;
	v14 =	vadd.f32 $5.239403580e-09, v14  }
0xa5: {  	v15 =	vadd.f32 $1.000000010e-10, v15;
	v12 =	vadd.f32 $-2.303827930e-02, v12;
	v16 =	vmul.f32 v17, v6;
	v17 =	vld.idx.msk [tilespmem:v2+s29+$0x0 ss:$0x1], $0xffff;
	s29 =	smov.u32 s30;
	s30 =	smov.u32 s31;
	s31 =	smov.u32 s3  }
0xa6: {  	s3 =	smov.u32 s0;
	v11 =	vadd.f32 $1.846884790e-01, v11;
	v13 =	vadd.f32 v14, v13  }
0xa7: {  	v14 =	vshra.s32 v5, $0x17;
	v5 =	vmovc v4;
	v4 =	vmovc v10;
	v12 =	vmul.f32 v12, v7;
	v16 =	vadd.f32 $-4.999622400e-01, v16  }
.Ltmp2:
0xa8: {  	v19 =	vand.u32 $0x7FFFFF, v15;
	v10 =	vmovc v15;
	v11 =	vmul.f32 v11, v9;
	v13 =	vsub.f32 v18, v13;
	(pc) =	sbr.rel @p0 .LBB2_4-.Ltmp2, $4  }
0xa9: {  	s0 =	sshra.s32 s14, $0x2;
	v18 =	vadd.s32 $0xFFFFFF81, v14;
	v12 =	vadd.f32 $6.651248040e-02, v12;
	v14 =	vmul.f32 v16, v6  }
0xaa: {  	v19 =	vor.u32 $0x3F800000, v19;
	v15 =	vld.idx.msk [tilespmem:v8+s0+$0x0 ss:$0x1], $0xffff;
	v20 =	vadd.f32 $-2.463566060e-01, v11;
	v11 =	vand.u32 $0x7FFFFFFF, v13  }
0xab: {  	v16 =	vmul.f32 v12, v7;
	v14 =	vadd.f32 $9.999989270e-01, v14;
	v12 =	vmul.f32 v11, v17  }
0xac: {  	s14 =	sadd.s32 $0x40, s14;
	v13 =	vcvt.s32.f32 v18;
	v11 =	vadd.f32 $-1.000000000e+00, v19;
	v17 =	vmul.f32 v20, v9  }
0xad: {  	_ =	sdelay $0x1  }
0xae: {  	v8 =	vadd.f32 $1.000000010e-10, v15;
	_ =	sdelay $0x1  }
0xaf: {  	v15 =	vand.u32 $0x7FFFFF, v8  }
0xb0: {  	v15 =	vor.u32 $0x3F800000, v15  }
0xb1: {  	v18 =	vmul.f32 $3.752624150e-03, v11;
	v15 =	vadd.f32 $-1.000000000e+00, v15;
	_ =	sdelay $0x1  }
0xb2: {  	v18 =	vadd.f32 $-2.303827930e-02, v18;
	v19 =	vmul.f32 $3.752624150e-03, v15;
	_ =	sdelay $0x1  }
0xb3: {  	v18 =	vmul.f32 v18, v11;
	v19 =	vadd.f32 $-2.303827930e-02, v19;
	_ =	sdelay $0x1  }
0xb4: {  	v18 =	vadd.f32 $6.651248040e-02, v18;
	v19 =	vmul.f32 v19, v15  }
0xb5: {  	v16 =	vadd.f32 $-1.252666120e-01, v16  }
0xb6: {  	v18 =	vmul.f32 v18, v11;
	v19 =	vadd.f32 $6.651248040e-02, v19  }
0xb7: {  	v16 =	vmul.f32 v16, v7  }
0xb8: {  	v18 =	vadd.f32 $-1.252666120e-01, v18;
	v19 =	vmul.f32 v19, v15  }
0xb9: {  	v16 =	vadd.f32 $1.846884790e-01, v16  }
0xba: {  	v17 =	vadd.f32 $3.328184190e-01, v17;
	v18 =	vmul.f32 v18, v11;
	v19 =	vadd.f32 $-1.252666120e-01, v19  }
0xbb: {  	v16 =	vmul.f32 v16, v7  }
0xbc: {  	v17 =	vmul.f32 v17, v9;
	v18 =	vadd.f32 $1.846884790e-01, v18;
	v19 =	vmul.f32 v19, v15  }
0xbd: {  	v6 =	vmul.f32 v14, v6;
	v36 =	vadd.f32 $-2.463566060e-01, v16  }
0xbe: {  	v17 =	vadd.f32 $-4.999622400e-01, v17;
	v38 =	vmul.f32 v18, v11;
	v39 =	vadd.f32 $1.846884790e-01, v19  }
0xbf: {  	v5 =	vshra.s32 v5, $0x17;
	v1 =	vadd.f32 v12, v1;
	v14 =	vmul.f32 v36, v7  }
0xc0: {  	v17 =	vmul.f32 v17, v9;
	v41 =	vadd.f32 $-2.463566060e-01, v38;
	v42 =	vmul.f32 v39, v15  }
0xc1: {  	v4 =	vshra.s32 v4, $0x17;
	v51 =	vshra.s32 v10, $0x17;
	v14 =	vadd.f32 $3.328184190e-01, v14  }
0xc2: {  	v37 =	vadd.f32 $9.999989270e-01, v17;
	v16 =	vmul.f32 v41, v11;
	v17 =	vadd.f32 $-2.463566060e-01, v42  }
0xc3: {  	v13 =	vmul.f32 $6.931471820e-01, v13;
	v5 =	vadd.s32 $0xFFFFFF81, v5;
	v14 =	vmul.f32 v14, v7  }
0xc4: {  	v4 =	vadd.s32 $0xFFFFFF81, v4;
	v16 =	vadd.f32 $3.328184190e-01, v16;
	v17 =	vmul.f32 v17, v15  }
0xc5: {  	v5 =	vcvt.s32.f32 v5;
	v40 =	vmul.f32 v37, v9;
	v14 =	vadd.f32 $-4.999622400e-01, v14  }
0xc6: {  	v6 =	vadd.f32 $5.239403580e-09, v6;
	v16 =	vmul.f32 v16, v11;
	v17 =	vadd.f32 $3.328184190e-01, v17  }
0xc7: {  	v43 =	vld.idx.msk [tilespmem:v3+s29+$0x0 ss:$0x1], $0xffff;
	v5 =	vmul.f32 $6.931471820e-01, v5;
	v9 =	vadd.f32 $5.239403580e-09, v40;
	v45 =	vmul.f32 v14, v7  }
0xc8: {  	v6 =	vadd.f32 v6, v13;
	v46 =	vadd.f32 $-4.999622400e-01, v16;
	v47 =	vmul.f32 v17, v15  }
0xc9: {  	v4 =	vcvt.s32.f32 v4;
	v5 =	vadd.f32 v9, v5;
	v9 =	vadd.f32 $9.999989270e-01, v45  }
0xca: {  	v44 =	vld.idx.msk [tilespmem:v3+s30+$0x0 ss:$0x1], $0xffff;
	v8 =	vshra.s32 v8, $0x17;
	v12 =	vmul.f32 v46, v11;
	v48 =	vadd.f32 $-4.999622400e-01, v47  }
0xcb: {  	v49 =	vld.idx.msk [tilespmem:v2+s29+$0x0 ss:$0x1], $0xffff;
	v4 =	vmul.f32 $6.931471820e-01, v4;
	v8 =	vadd.s32 $0xFFFFFF81, v8;
	v50 =	vmul.f32 v9, v7  }
0xcc: {  	v52 =	vld.idx.msk [tilespmem:v3+s31+$0x0 ss:$0x1], $0xffff;
	v6 =	vsub.f32 v43, v6;
	v12 =	vadd.f32 $9.999989270e-01, v12;
	v13 =	vmul.f32 v48, v15  }
0xcd: {  	v8 =	vcvt.s32.f32 v8;
	v9 =	vadd.s32 $0xFFFFFF81, v51;
	v7 =	vadd.f32 $5.239403580e-09, v50  }
0xce: {  	v53 =	vld.idx.msk [tilespmem:v2+s30+$0x0 ss:$0x1], $0xffff;
	v9 =	vcvt.s32.f32 v9;
	v54 =	vmul.f32 v12, v11;
	v55 =	vadd.f32 $9.999989270e-01, v13  }
0xcf: {  	v56 =	vld.idx.msk [tilespmem:v3+s3+$0x0 ss:$0x1], $0xffff;
	v6 =	vand.u32 $0x7FFFFFFF, v6;
	v5 =	vsub.f32 v44, v5;
	v4 =	vadd.f32 v7, v4  }
0xd0: {  	v57 =	vld.idx.msk [tilespmem:v2+s31+$0x0 ss:$0x1], $0xffff;
	v9 =	vmul.f32 $6.931471820e-01, v9;
	v11 =	vadd.f32 $5.239403580e-09, v54;
	v12 =	vmul.f32 v55, v15  }
0xd1: {  	v3 =	vld.idx.msk [tilespmem:v3+s0+$0x0 ss:$0x1], $0xffff;
	v8 =	vmul.f32 $6.931471820e-01, v8;
	v6 =	vmul.f32 v6, v49;
	v4 =	vsub.f32 v52, v4  }
0xd2: {  	v58 =	vld.idx.msk [tilespmem:v2+s3+$0x0 ss:$0x1], $0xffff;
	v5 =	vand.u32 $0x7FFFFFFF, v5;
	v9 =	vadd.f32 v11, v9;
	v59 =	vadd.f32 $5.239403580e-09, v12  }
0xd3: {  	v1 =	vadd.f32 v6, v1;
	v5 =	vmul.f32 v5, v53  }
0xd4: {  	v2 =	vld.idx.msk [tilespmem:v2+s0+$0x0 ss:$0x1], $0xffff;
	v4 =	vand.u32 $0x7FFFFFFF, v4;
	v60 =	vsub.f32 v56, v9;
	v61 =	vadd.f32 v59, v8  }
0xd5: {  	v1 =	vadd.f32 v5, v1;
	v4 =	vmul.f32 v4, v57  }
0xd6: {  	s28 =	sadd.s32 $0x1, s28;
	v62 =	vand.u32 $0x7FFFFFFF, v60;
	v3 =	vsub.f32 v3, v61  }
0xd7: {  	p0 =	sne.s32 s28, $0x8;
	v1 =	vadd.f32 v4, v1;
	v63 =	vmul.f32 v62, v58  }
.Ltmp3:
0xd8: {  	v3 =	vand.u32 $0x7FFFFFFF, v3;
	(pc) =	sbr.rel @p0 .LBB2_3-.Ltmp3, $3  }
0xd9: {  	v1 =	vadd.f32 v63, v1;
	v2 =	vmul.f32 v3, v2;
	_ =	sdelay $0x1  }
0xda: {  	v1 =	vadd.f32 v2, v1  }
0xdb: {  	s25 =	sadd.s32 $0x80, s25;
	s26 =	sadd.s32 $0x80, s26;
	s24 =	sadd.s32 $0x80, s24  }
0xdc: {  	v2 =	vld [tilespmem:$0x1800];
	_ =	sdelay $0x1  }
0xdd: {  	p0 =	seq.s32 s23, $0x1C  }
.Ltmp4:
0xde: {  	_ = 	snop;
	(pc) =	sbr.rel @p0 .LBB2_12-.Ltmp4, $3  }
0xdf: {  	_ = 	snop  }
0xe0: {  	v1 =	vadd.f32 v2, v1;
	_ =	sdelay $0x1  }
0xe1: {  	[tilespmem:$0x1800] =	vst v1  }
0xe2: {  	s24 =	sshll.u32 s23, $0x10  }
0xe3: {  	s0 =	sadd.s32 s10, s24  }
0xe4: {  	s0 =	sshrl.u32 s0, $0x3  }
0xe5: {  	s25 =	simm.s32 $0x0;
	s3 =	sadd.s32 s1, s0  }
0xe6: {  	[tilespmem:s25], [sflag:$0x1] =	stream.linear.gather [hbm4b:s3+s25], $0x400, $0x38;
	[tilespmem:$0x1880] =	vst v63  }
0xe7: {  	s0 =	sadd.s32 s2, s0  }
0xe8: {  	[tilespmem:s16], [sflag:$0x1] =	stream.linear.gather [hbm4b:s0+s25], $0x400, $0x38;
	[tilespmem:$0x1880] =	vst v63  }
0xe9: {  	_ =	swait.ge [sflag:s21], $0x400  }
0xea: {  	[sflag:s21] =	ssyncset.done $0x0  }
0xeb: {  	[sflag:s21] =	ssyncadd.s32 $0xFFFFFC00  }
0xec: {  	_ =	swait.ge [sflag:s21], $0x400  }
0xed: {  	s26 =	simm.s32 $0x1400;
	[sflag:s21] =	ssyncset.done $0x0  }
0xee: {  	v1 =	vimm.f32 $0.0e+00;
	s28 =	simm.s32 $0xC00;
	s29 =	simm.s32 $0x400;
	[sflag:s21] =	ssyncadd.s32 $0xFFFFFC00  }
.LBB2_8:
0xef: {  	v8 =	vmov s28;
	_ =	sdelay $0x3  }
0xf0: {  	s14 =	simm.s32 $0x0  }
0xf1: {  	v2 =	vld.idx.msk [tilespmem:v8+s14+$0x0 ss:$0x1], $0xffff;
	_ =	sdelay $0x4  }
0xf2: {  	v7 =	vadd.f32 $1.000000010e-10, v2;
	_ =	sdelay $0x1  }
0xf3: {  	v2 =	vand.u32 $0x7FFFFF, v7  }
0xf4: {  	v2 =	vor.u32 $0x3F800000, v2  }
0xf5: {  	v10 =	vadd.f32 $-1.000000000e+00, v2  }
0xf6: {  	s30 =	simm.s32 $0x10  }
0xf7: {  	v2 =	vld.idx.msk [tilespmem:v8+s30+$0x0 ss:$0x1], $0xffff;
	v3 =	vmul.f32 $3.752624150e-03, v10;
	_ =	sdelay $0x1  }
0xf8: {  	v3 =	vadd.f32 $-2.303827930e-02, v3;
	_ =	sdelay $0x1  }
0xf9: {  	v3 =	vmul.f32 v3, v10  }
0xfa: {  	v11 =	vadd.f32 $1.000000010e-10, v2  }
0xfb: {  	v2 =	vadd.f32 $6.651248040e-02, v3  }
0xfc: {  	v3 =	vand.u32 $0x7FFFFF, v11  }
0xfd: {  	v3 =	vor.u32 $0x3F800000, v3;
	v2 =	vmul.f32 v2, v10  }
0xfe: {  	v6 =	vadd.f32 $-1.000000000e+00, v3  }
0xff: {  	s31 =	simm.s32 $0x20;
	v2 =	vadd.f32 $-1.252666120e-01, v2  }
0x100: {  	v3 =	vld.idx.msk [tilespmem:v8+s31+$0x0 ss:$0x1], $0xffff;
	v4 =	vmul.f32 $3.752624150e-03, v6  }
0x101: {  	v2 =	vmul.f32 v2, v10  }
0x102: {  	v4 =	vadd.f32 $-2.303827930e-02, v4  }
0x103: {  	v2 =	vadd.f32 $1.846884790e-01, v2  }
0x104: {  	v4 =	vmul.f32 v4, v6  }
0x105: {  	v5 =	vadd.f32 $1.000000010e-10, v3;
	v2 =	vmul.f32 v2, v10  }
0x106: {  	v3 =	vadd.f32 $6.651248040e-02, v4  }
0x107: {  	v4 =	vand.u32 $0x7FFFFF, v5;
	v2 =	vadd.f32 $-2.463566060e-01, v2  }
0x108: {  	v4 =	vor.u32 $0x3F800000, v4;
	v3 =	vmul.f32 v3, v6  }
0x109: {  	v9 =	vadd.f32 $-1.000000000e+00, v4;
	v2 =	vmul.f32 v2, v10  }
0x10a: {  	s3 =	simm.s32 $0x30;
	v3 =	vadd.f32 $-1.252666120e-01, v3  }
0x10b: {  	v4 =	vld.idx.msk [tilespmem:v8+s3+$0x0 ss:$0x1], $0xffff;
	v12 =	vmul.f32 $3.752624150e-03, v9;
	v2 =	vadd.f32 $3.328184190e-01, v2  }
0x10c: {  	v3 =	vmul.f32 v3, v6  }
0x10d: {  	v12 =	vadd.f32 $-2.303827930e-02, v12;
	v2 =	vmul.f32 v2, v10  }
0x10e: {  	v13 =	vadd.f32 $1.846884790e-01, v3  }
0x10f: {  	v12 =	vmul.f32 v12, v9;
	v14 =	vadd.f32 $-4.999622400e-01, v2  }
0x110: {  	v7 =	vshra.s32 v7, $0x17;
	v4 =	vadd.f32 $1.000000010e-10, v4;
	v13 =	vmul.f32 v13, v6  }
0x111: {  	v3 =	vmov s29;
	v12 =	vadd.f32 $6.651248040e-02, v12;
	v14 =	vmul.f32 v14, v10  }
0x112: {  	s0 =	simm.s32 $0x40;
	v17 =	vadd.s32 $0xFFFFFF81, v7;
	v15 =	vand.u32 $0x7FFFFF, v4;
	v13 =	vadd.f32 $-2.463566060e-01, v13  }
0x113: {  	v16 =	vld.idx.msk [tilespmem:v8+s0+$0x0 ss:$0x1], $0xffff;
	v15 =	vor.u32 $0x3F800000, v15;
	v12 =	vmul.f32 v12, v9;
	v14 =	vadd.f32 $9.999989270e-01, v14  }
0x114: {  	v2 =	vmov s26;
	v7 =	vadd.f32 $-1.000000000e+00, v15;
	v13 =	vmul.f32 v13, v6  }
0x115: {  	v15 =	vcvt.s32.f32 v17;
	v12 =	vadd.f32 $-1.252666120e-01, v12;
	v10 =	vmul.f32 v14, v10  }
0x116: {  	v17 =	vmul.f32 $3.752624150e-03, v7;
	v14 =	vld.idx.msk [tilespmem:v3+s14+$0x0 ss:$0x1], $0xffff;
	v13 =	vadd.f32 $3.328184190e-01, v13  }
0x117: {  	v15 =	vmul.f32 $6.931471820e-01, v15;
	v12 =	vmul.f32 v12, v9;
	v18 =	vadd.f32 $5.239403580e-09, v10  }
0x118: {  	v10 =	vadd.f32 $1.000000010e-10, v16;
	v16 =	vadd.f32 $-2.303827930e-02, v17;
	v13 =	vmul.f32 v13, v6  }
0x119: {  	v17 =	vld.idx.msk [tilespmem:v2+s14+$0x0 ss:$0x1], $0xffff;
	v12 =	vadd.f32 $1.846884790e-01, v12;
	v15 =	vadd.f32 v18, v15  }
0x11a: {  	v11 =	vshra.s32 v11, $0x17;
	v16 =	vmul.f32 v16, v7;
	v13 =	vadd.f32 $-4.999622400e-01, v13  }
0x11b: {  	v19 =	vadd.s32 $0xFFFFFF81, v11;
	v12 =	vmul.f32 v12, v9;
	v14 =	vsub.f32 v14, v15  }
0x11c: {  	v18 =	vand.u32 $0x7FFFFF, v10;
	v15 =	vadd.f32 $6.651248040e-02, v16;
	v11 =	vmul.f32 v13, v6  }
0x11d: {  	s14 =	simm.s32 $0x50;
	v13 =	vor.u32 $0x3F800000, v18;
	v18 =	vadd.f32 $-2.463566060e-01, v12;
	v12 =	vand.u32 $0x7FFFFFFF, v14  }
0x11e: {  	v16 =	vmul.f32 v15, v7;
	v14 =	vadd.f32 $9.999989270e-01, v11;
	v15 =	vld.idx.msk [tilespmem:v8+s14+$0x0 ss:$0x1], $0xffff;
	v12 =	vmul.f32 v12, v17  }
0x11f: {  	s17 =	simm.s32 $0x180;
	v11 =	vadd.f32 $-1.000000000e+00, v13;
	v13 =	vcvt.s32.f32 v19;
	v17 =	vmul.f32 v18, v9  }
.LBB2_9:
0x120: {  	p0 =	sne.s32 s17, $0x1C0;
	v16 =	vadd.f32 $-1.252666120e-01, v16;
	v18 =	vld.idx.msk [tilespmem:v3+s30+$0x0 ss:$0x1], $0xffff;
	v14 =	vmul.f32 v14, v6;
	v1 =	vadd.f32 v12, v1;
	v6 =	vmovc v9  }
0x121: {  	v9 =	vmovc v7;
	v12 =	vmul.f32 $3.752624150e-03, v11;
	v17 =	vadd.f32 $3.328184190e-01, v17;
	v7 =	vmov v11  }
0x122: {  	v13 =	vmul.f32 $6.931471820e-01, v13;
	v11 =	vmul.f32 v16, v9;
	v14 =	vadd.f32 $5.239403580e-09, v14  }
0x123: {  	v15 =	vadd.f32 $1.000000010e-10, v15;
	v12 =	vadd.f32 $-2.303827930e-02, v12;
	v16 =	vmul.f32 v17, v6;
	v17 =	vld.idx.msk [tilespmem:v2+s30+$0x0 ss:$0x1], $0xffff;
	s30 =	smov.u32 s31;
	s31 =	smov.u32 s3;
	s3 =	smov.u32 s0  }
0x124: {  	s0 =	smov.u32 s14;
	v11 =	vadd.f32 $1.846884790e-01, v11;
	v13 =	vadd.f32 v14, v13  }
0x125: {  	v14 =	vshra.s32 v5, $0x17;
	v5 =	vmovc v4;
	v4 =	vmovc v10;
	v12 =	vmul.f32 v12, v7;
	v16 =	vadd.f32 $-4.999622400e-01, v16  }
.Ltmp5:
0x126: {  	v19 =	vand.u32 $0x7FFFFF, v15;
	v10 =	vmovc v15;
	v11 =	vmul.f32 v11, v9;
	v13 =	vsub.f32 v18, v13;
	(pc) =	sbr.rel @p0 .LBB2_9-.Ltmp5, $4  }
0x127: {  	s14 =	sshra.s32 s17, $0x2;
	v18 =	vadd.s32 $0xFFFFFF81, v14;
	v12 =	vadd.f32 $6.651248040e-02, v12;
	v14 =	vmul.f32 v16, v6  }
0x128: {  	v19 =	vor.u32 $0x3F800000, v19;
	v15 =	vld.idx.msk [tilespmem:v8+s14+$0x0 ss:$0x1], $0xffff;
	v20 =	vadd.f32 $-2.463566060e-01, v11;
	v11 =	vand.u32 $0x7FFFFFFF, v13  }
0x129: {  	v16 =	vmul.f32 v12, v7;
	v14 =	vadd.f32 $9.999989270e-01, v14;
	v12 =	vmul.f32 v11, v17  }
0x12a: {  	s17 =	sadd.s32 $0x40, s17;
	v13 =	vcvt.s32.f32 v18;
	v11 =	vadd.f32 $-1.000000000e+00, v19;
	v17 =	vmul.f32 v20, v9  }
0x12b: {  	_ =	sdelay $0x1  }
0x12c: {  	v8 =	vadd.f32 $1.000000010e-10, v15;
	_ =	sdelay $0x1  }
0x12d: {  	v15 =	vand.u32 $0x7FFFFF, v8  }
0x12e: {  	v15 =	vor.u32 $0x3F800000, v15  }
0x12f: {  	v18 =	vmul.f32 $3.752624150e-03, v11;
	v15 =	vadd.f32 $-1.000000000e+00, v15;
	_ =	sdelay $0x1  }
0x130: {  	v18 =	vadd.f32 $-2.303827930e-02, v18;
	v19 =	vmul.f32 $3.752624150e-03, v15;
	_ =	sdelay $0x1  }
0x131: {  	v18 =	vmul.f32 v18, v11;
	v19 =	vadd.f32 $-2.303827930e-02, v19;
	_ =	sdelay $0x1  }
0x132: {  	v18 =	vadd.f32 $6.651248040e-02, v18;
	v19 =	vmul.f32 v19, v15  }
0x133: {  	v16 =	vadd.f32 $-1.252666120e-01, v16  }
0x134: {  	v18 =	vmul.f32 v18, v11;
	v19 =	vadd.f32 $6.651248040e-02, v19  }
0x135: {  	v16 =	vmul.f32 v16, v7  }
0x136: {  	v18 =	vadd.f32 $-1.252666120e-01, v18;
	v19 =	vmul.f32 v19, v15  }
0x137: {  	v16 =	vadd.f32 $1.846884790e-01, v16  }
0x138: {  	v17 =	vadd.f32 $3.328184190e-01, v17;
	v18 =	vmul.f32 v18, v11;
	v19 =	vadd.f32 $-1.252666120e-01, v19  }
0x139: {  	v16 =	vmul.f32 v16, v7  }
0x13a: {  	v17 =	vmul.f32 v17, v9;
	v18 =	vadd.f32 $1.846884790e-01, v18;
	v19 =	vmul.f32 v19, v15  }
0x13b: {  	v6 =	vmul.f32 v14, v6;
	v36 =	vadd.f32 $-2.463566060e-01, v16  }
0x13c: {  	v17 =	vadd.f32 $-4.999622400e-01, v17;
	v38 =	vmul.f32 v18, v11;
	v39 =	vadd.f32 $1.846884790e-01, v19  }
0x13d: {  	v5 =	vshra.s32 v5, $0x17;
	v1 =	vadd.f32 v12, v1;
	v14 =	vmul.f32 v36, v7  }
0x13e: {  	v17 =	vmul.f32 v17, v9;
	v41 =	vadd.f32 $-2.463566060e-01, v38;
	v42 =	vmul.f32 v39, v15  }
0x13f: {  	v4 =	vshra.s32 v4, $0x17;
	v51 =	vshra.s32 v10, $0x17;
	v14 =	vadd.f32 $3.328184190e-01, v14  }
0x140: {  	v37 =	vadd.f32 $9.999989270e-01, v17;
	v16 =	vmul.f32 v41, v11;
	v17 =	vadd.f32 $-2.463566060e-01, v42  }
0x141: {  	v13 =	vmul.f32 $6.931471820e-01, v13;
	v5 =	vadd.s32 $0xFFFFFF81, v5;
	v14 =	vmul.f32 v14, v7  }
0x142: {  	v4 =	vadd.s32 $0xFFFFFF81, v4;
	v16 =	vadd.f32 $3.328184190e-01, v16;
	v17 =	vmul.f32 v17, v15  }
0x143: {  	v5 =	vcvt.s32.f32 v5;
	v40 =	vmul.f32 v37, v9;
	v14 =	vadd.f32 $-4.999622400e-01, v14  }
0x144: {  	v6 =	vadd.f32 $5.239403580e-09, v6;
	v16 =	vmul.f32 v16, v11;
	v17 =	vadd.f32 $3.328184190e-01, v17  }
0x145: {  	v43 =	vld.idx.msk [tilespmem:v3+s30+$0x0 ss:$0x1], $0xffff;
	v5 =	vmul.f32 $6.931471820e-01, v5;
	v9 =	vadd.f32 $5.239403580e-09, v40;
	v45 =	vmul.f32 v14, v7  }
0x146: {  	v6 =	vadd.f32 v6, v13;
	v46 =	vadd.f32 $-4.999622400e-01, v16;
	v47 =	vmul.f32 v17, v15  }
0x147: {  	v4 =	vcvt.s32.f32 v4;
	v5 =	vadd.f32 v9, v5;
	v9 =	vadd.f32 $9.999989270e-01, v45  }
0x148: {  	v44 =	vld.idx.msk [tilespmem:v3+s31+$0x0 ss:$0x1], $0xffff;
	v8 =	vshra.s32 v8, $0x17;
	v12 =	vmul.f32 v46, v11;
	v48 =	vadd.f32 $-4.999622400e-01, v47  }
0x149: {  	v49 =	vld.idx.msk [tilespmem:v2+s30+$0x0 ss:$0x1], $0xffff;
	v4 =	vmul.f32 $6.931471820e-01, v4;
	v8 =	vadd.s32 $0xFFFFFF81, v8;
	v50 =	vmul.f32 v9, v7  }
0x14a: {  	v52 =	vld.idx.msk [tilespmem:v3+s3+$0x0 ss:$0x1], $0xffff;
	v6 =	vsub.f32 v43, v6;
	v12 =	vadd.f32 $9.999989270e-01, v12;
	v13 =	vmul.f32 v48, v15  }
0x14b: {  	v8 =	vcvt.s32.f32 v8;
	v9 =	vadd.s32 $0xFFFFFF81, v51;
	v7 =	vadd.f32 $5.239403580e-09, v50  }
0x14c: {  	v53 =	vld.idx.msk [tilespmem:v2+s31+$0x0 ss:$0x1], $0xffff;
	v9 =	vcvt.s32.f32 v9;
	v54 =	vmul.f32 v12, v11;
	v55 =	vadd.f32 $9.999989270e-01, v13  }
0x14d: {  	v56 =	vld.idx.msk [tilespmem:v3+s0+$0x0 ss:$0x1], $0xffff;
	v6 =	vand.u32 $0x7FFFFFFF, v6;
	v5 =	vsub.f32 v44, v5;
	v4 =	vadd.f32 v7, v4  }
0x14e: {  	v57 =	vld.idx.msk [tilespmem:v2+s3+$0x0 ss:$0x1], $0xffff;
	v9 =	vmul.f32 $6.931471820e-01, v9;
	v11 =	vadd.f32 $5.239403580e-09, v54;
	v12 =	vmul.f32 v55, v15  }
0x14f: {  	v3 =	vld.idx.msk [tilespmem:v3+s14+$0x0 ss:$0x1], $0xffff;
	v8 =	vmul.f32 $6.931471820e-01, v8;
	v6 =	vmul.f32 v6, v49;
	v4 =	vsub.f32 v52, v4  }
0x150: {  	v58 =	vld.idx.msk [tilespmem:v2+s0+$0x0 ss:$0x1], $0xffff;
	v5 =	vand.u32 $0x7FFFFFFF, v5;
	v9 =	vadd.f32 v11, v9;
	v59 =	vadd.f32 $5.239403580e-09, v12  }
0x151: {  	v1 =	vadd.f32 v6, v1;
	v5 =	vmul.f32 v5, v53  }
0x152: {  	v2 =	vld.idx.msk [tilespmem:v2+s14+$0x0 ss:$0x1], $0xffff;
	v4 =	vand.u32 $0x7FFFFFFF, v4;
	v60 =	vsub.f32 v56, v9;
	v61 =	vadd.f32 v59, v8  }
0x153: {  	v1 =	vadd.f32 v5, v1;
	v4 =	vmul.f32 v4, v57  }
0x154: {  	s25 =	sadd.s32 $0x1, s25;
	v62 =	vand.u32 $0x7FFFFFFF, v60;
	v3 =	vsub.f32 v3, v61  }
0x155: {  	p0 =	sne.s32 s25, $0x8;
	v1 =	vadd.f32 v4, v1;
	v63 =	vmul.f32 v62, v58  }
.Ltmp6:
0x156: {  	v3 =	vand.u32 $0x7FFFFFFF, v3;
	(pc) =	sbr.rel @p0 .LBB2_8-.Ltmp6, $3  }
0x157: {  	v1 =	vadd.f32 v63, v1;
	v2 =	vmul.f32 v3, v2;
	_ =	sdelay $0x1  }
0x158: {  	v1 =	vadd.f32 v2, v1  }
0x159: {  	s26 =	sadd.s32 $0x80, s26;
	s28 =	sadd.s32 $0x80, s28;
	s29 =	sadd.s32 $0x80, s29  }
0x15a: {  	v2 =	vld [tilespmem:$0x1800];
	_ =	sdelay $0x3  }
0x15b: {  	p0 =	seq.s32 s23, $0x1B  }
0x15c: {  	s0 =	sadd.s32 @!p0 s11, s24;
	v1 =	vadd.f32 v2, v1  }
0x15d: {  	s0 =	sshrl.u32 @!p0 s0, $0x3  }
0x15e: {  	s14 =	simm.s32 @!p0 $0x0;
	s17 =	simm.s32 @!p0 $0x400;
	s3 =	sadd.s32 @!p0 s1, s0;
	[tilespmem:$0x1800] =	vst v1  }
0x15f: {  	[tilespmem:s17], [sflag:$0x2] =	stream.linear.gather @!p0 [hbm4b:s3+s14], $0x400, $0x38;
	[tilespmem:$0x1880] =	vst v63  }
0x160: {  	s23 =	sadd.s32 $0x1, s23;
	s0 =	sadd.s32 @!p0 s2, s0;
	s3 =	simm.s32 @!p0 $0xC00  }
0x161: {  	[tilespmem:s3], [sflag:$0x2] =	stream.linear.gather @!p0 [hbm4b:s0+s14], $0x400, $0x38;
	[tilespmem:$0x1880] =	vst v63  }
0x162: {  	p0 =	sne.s32 s23, $0x1D  }
.Ltmp7:
0x163: {  	_ = 	snop;
	(pc) =	sbr.rel @p0 .LBB2_2-.Ltmp7, $4  }
.Ltmp8:
0x164: {  	_ = 	snop;
	(pc) =	sbr.rel @!p0 .LBB2_12-.Ltmp8, $4  }
0x165: {  	_ = 	snop  }
0x166: {  	_ = 	snop  }
0x167: {  	_ = 	snop  }
0x168: {  	_ = 	snop  }
.LBB2_13:
0x169: {  	_ =	sfence.sel $0x180000  }
0x16a: {  	[bflag:$0x0] =	sbarrier.arrive $0xFFFF  }
0x16b: {  	_ =	strace $0x90000047  }
0x16c: {  	s0 =	stileid.u32;
	[bflag:$0x2] =	sbarrier.arrive $0xFFFF  }
0x16d: {  	p0 =	sne.s32 s0, $0x0;
	s0 =	rddreg [dreg:$0x4]  }
0x16e: {  	s0 =	sadd.s32 @!p0 $0x100000, s0  }
0x16f: {  	[sflag:s0] =	ssyncadd.tile.s32 @!p0 $0x1;
	_ =	shalt  }
.Lfunc_end2:
_tile_overlayer_lowered:
.L_overlay_start_2:
0x170: {  	(tag) =	ssettag $0x2  }
0x171: {  	s0 =	rddreg [dreg:$0x0];
	s2 =	stileid.u32  }
0x172: {  	s1 =	rddreg [dreg:$0x1];
	p0 =	sne.s32 s2, $0x0  }
0x173: {  	s3 =	rddreg [dreg:$0x2];
	[bflag:$0x3] =	sbarrier.arrive $0xFFFF;
	s2 =	simm.s32 @!p0 $0x1C03  }
0x174: {  	[timem:s3], [sflag:s2] =	dma.local @!p0 [hbm:s0], s1  }
0x175: {  	s0 =	simm.s32 @!p0 $0x3  }
0x176: {  	_ =	swait.ge @!p0 [sflag:s0], s1  }
0x177: {  	s1 =	ssub.s32 @!p0 $0x0, s1;
	[sflag:s0] =	ssyncset.done @!p0 $0x0  }
0x178: {  	[sflag:s0] =	ssyncadd.s32 @!p0 s1  }
0x179: {  	[bflag:$0x3] =	sbarrier.arrive $0xFFFF  }
0x17a: {  	_ =	shalt  }

</sc_bundles>
